<compile_context>
chip_gen: v7x
topology: tpu7x:2x2x1
jax: 0.10.2.dev20260603
libtpu: 0.0.44.dev20260713+nightly
codegen_flags: <defaults>
</compile_context>

<pallas_src>
import functools

import jax
import jax.numpy as jnp
from jax import lax
from jax.experimental import pallas as pl
from jax.experimental.pallas import tpu as pltpu
from jax.experimental.pallas import tpu_sc as plsc

N = 10000
E = 160000
D = 256
OUT = 256
H = 128
NC = 2
NS = 16
EPT = E // NS
C = 80
KT = EPT // C
NP = 10240
RT = NP // NS
L = 16


KTD = 64


def _sc_dir_body(feat2, gidx, sidx, dsidx, zrow, orow, sums, deg,
                 acc, gv0, sv0, gv1, sv1, rows0, rows1, ones_v, g0, g1):
    c = lax.axis_index("c")
    s = lax.axis_index("s")
    pltpu.sync_copy(orow, ones_v)
    pltpu.sync_copy(zrow, acc.at[pl.ds(s * RT, RT)])
    plsc.subcore_barrier()

    pltpu.sync_copy(gidx.at[c, s, 0, 0], gv0)
    pltpu.sync_copy(sidx.at[s, 0, 0], sv0)
    pltpu.async_copy(feat2.at[gv0], rows0, g0)
    pltpu.sync_copy(gidx.at[c, s, 1, 0], gv1)
    pltpu.sync_copy(sidx.at[s, 1, 0], sv1)
    pltpu.async_copy(feat2.at[gv1], rows1, g1)

    def pair(j, carry):
        k0 = 2 * j
        pltpu.make_async_copy(feat2.at[gv0], rows0, g0).wait()
        pltpu.sync_copy(rows0, acc.at[sv0], add=True)
        kk0 = jnp.minimum(k0 + 2, KT - 1)
        pltpu.sync_copy(gidx.at[c, s, kk0, 0], gv0)
        pltpu.sync_copy(sidx.at[s, kk0, 0], sv0)
        pltpu.async_copy(feat2.at[gv0], rows0, g0)
        pltpu.make_async_copy(feat2.at[gv1], rows1, g1).wait()
        pltpu.sync_copy(rows1, acc.at[sv1], add=True)
        kk1 = jnp.minimum(k0 + 3, KT - 1)
        pltpu.sync_copy(gidx.at[c, s, kk1, 0], gv1)
        pltpu.sync_copy(sidx.at[s, kk1, 0], sv1)
        pltpu.async_copy(feat2.at[gv1], rows1, g1)
        return carry

    lax.fori_loop(0, (KT - 1) // 2, pair, 0)
    pltpu.make_async_copy(feat2.at[gv0], rows0, g0).wait()
    pltpu.sync_copy(rows0, acc.at[sv0], add=True)
    pltpu.make_async_copy(feat2.at[gv1], rows1, g1).wait()
    plsc.subcore_barrier()
    pltpu.sync_copy(acc.at[pl.ds(s * RT, RT)],
                    sums.at[c, pl.ds(s * RT, RT)])
    plsc.subcore_barrier()

    pltpu.sync_copy(zrow, acc.at[pl.ds(s * RT, RT)])
    plsc.subcore_barrier()

    pltpu.async_copy(dsidx.at[c, s, 0, 0], sv0, g0)
    pltpu.async_copy(dsidx.at[c, s, 1, 0], sv1, g1)

    def dpair(j, carry):
        k0 = 2 * j
        pltpu.make_async_copy(dsidx.at[c, s, 0, 0], sv0, g0).wait()
        pltpu.sync_copy(ones_v, acc.at[sv0], add=True)
        kk0 = jnp.minimum(k0 + 2, KTD - 1)
        pltpu.async_copy(dsidx.at[c, s, kk0, 0], sv0, g0)
        pltpu.make_async_copy(dsidx.at[c, s, 0, 0], sv1, g1).wait()
        pltpu.sync_copy(ones_v, acc.at[sv1], add=True)
        kk1 = jnp.minimum(k0 + 3, KTD - 1)
        pltpu.async_copy(dsidx.at[c, s, kk1, 0], sv1, g1)
        return carry

    lax.fori_loop(0, KTD // 2, dpair, 0)
    pltpu.make_async_copy(dsidx.at[c, s, 0, 0], sv0, g0).wait()
    pltpu.make_async_copy(dsidx.at[c, s, 0, 0], sv1, g1).wait()
    plsc.subcore_barrier()
    pltpu.sync_copy(acc.at[pl.ds(s * RT, RT)],
                    deg.at[c, pl.ds(s * RT, RT)])


_sc_dir = functools.partial(
    pl.kernel,
    out_type=[
        jax.ShapeDtypeStruct((NC, NP, H), jnp.float32),
        jax.ShapeDtypeStruct((NC, NP, H), jnp.float32),
    ],
    mesh=plsc.VectorSubcoreMesh(core_axis_name="c", subcore_axis_name="s"),
    scratch_types=[
        pltpu.VMEM_SHARED((NP, H), jnp.float32),
        pltpu.VMEM((C,), jnp.int32),
        pltpu.VMEM((C,), jnp.int32),
        pltpu.VMEM((C,), jnp.int32),
        pltpu.VMEM((C,), jnp.int32),
        pltpu.VMEM((C, H), jnp.float32),
        pltpu.VMEM((C, H), jnp.float32),
        pltpu.VMEM((C, H), jnp.float32),
        pltpu.SemaphoreType.DMA,
        pltpu.SemaphoreType.DMA,
    ],
)(_sc_dir_body)


R = 2000


def _tc_body(fl, fr, bl, br, di, do_, wa, wb, wc, wd, out):
    sin = 1.0 / jnp.maximum(di[:, 0:1], 1.0)
    so = 1.0 / jnp.maximum(do_[:, 0:1], 1.0)
    acc = jnp.dot(fl[:] * sin, wa[:], preferred_element_type=jnp.float32)
    acc += jnp.dot(fr[:] * sin, wb[:], preferred_element_type=jnp.float32)
    acc += jnp.dot(bl[:] * so, wc[:], preferred_element_type=jnp.float32)
    acc += jnp.dot(br[:] * so, wd[:], preferred_element_type=jnp.float32)
    out[:] = acc


def _tc_mm(fl, fr, bl, br, di, do_, wa, wb, wc, wd):
    sblock = pl.BlockSpec((R, H), lambda i: (i, 0))
    dblock = pl.BlockSpec((R, 16), lambda i: (i, 0))
    wblock = pl.BlockSpec((H, OUT), lambda i: (0, 0))
    return pl.pallas_call(
        _tc_body,
        grid=(N // R,),
        in_specs=[sblock, sblock, sblock, sblock, dblock, dblock,
                  wblock, wblock, wblock, wblock],
        out_specs=pl.BlockSpec((R, OUT), lambda i: (i, 0)),
        out_shape=jax.ShapeDtypeStruct((N, OUT), jnp.float32),
    )(fl, fr, bl, br, di, do_, wa, wb, wc, wd)


def kernel(feat, edge_index, W):
    feat = feat.astype(jnp.float32)
    ei = edge_index.astype(jnp.int32)
    feat2 = jnp.concatenate([feat[:, :H], feat[:, H:]], axis=0)
    offs = (jnp.arange(NC, dtype=jnp.int32) * N)[:, None]
    zrow = jnp.zeros((RT, H), jnp.float32)
    orow = jnp.ones((C, H), jnp.float32)

    trash = (N + (jnp.arange(64 * 80 - 5000, dtype=jnp.int32) % (NP - N)))

    outs = []
    for d in range(2):
        gidx = (ei[d][None, :] + offs).reshape(NC, NS, KT, 1, C)
        sidx = ei[1 - d].reshape(NS, KT, 1, C)
        s2 = ei[1 - d].reshape(NS, NC, EPT // NC)
        pad = jnp.broadcast_to(trash[None, None, :], (NS, NC, trash.shape[0]))
        dsidx = jnp.concatenate([s2, pad], axis=2).transpose(1, 0, 2) \
                   .reshape(NC, NS, 64, 1, C)
        outs.append(_sc_dir(feat2, gidx, sidx, dsidx, zrow, orow))
    (fsum, fdeg), (bsum, bdeg) = outs

    di = fdeg[0, :N, :16] + fdeg[1, :N, :16]
    do_ = bdeg[0, :N, :16] + bdeg[1, :N, :16]
    Wt = W.astype(jnp.float32).T
    return _tc_mm(fsum[0, :N], fsum[1, :N], bsum[0, :N], bsum[1, :N],
                  di, do_,
                  Wt[0:H], Wt[H:D], Wt[D:D + H], Wt[D + H:2 * D])

# --- scband reference (transcript-rebuilt; emitter-appended) ---
"""Pipeline reference for scband-dir-accconv-81329500717448 (READ-ONLY COPY).

The authoritative reference and input builder live on the scoring server;
editing this copy changes nothing except your own understanding.
"""

import jax, jax.numpy as jnp
import numpy as np

N = 10000
E = 160000
D = 256
OUT = 256


def setup_inputs(seed: int = 0) -> dict:
    key = jax.random.key(seed)
    k1, k2, k3 = jax.random.split(key, 3)
    feat = jax.random.normal(k1, (N, D), dtype=jnp.float32)
    edge_index = jax.random.randint(k2, (2, E), 0, N)
    # fc_neigh weight: Linear(2*in_feats -> out_feats, bias=False), torch stores [out, 2*in]
    W = jax.random.normal(k3, (OUT, 2 * D), dtype=jnp.float32) * 0.05
    return {"feat": feat, "edge_index": edge_index, "W": W}


def _mean_agg(feat, src, dst, n_nodes):
    # DGL SAGEConv 'mean' aggregation: h_neigh[v] = mean_{(u->v) in E} feat[u]
    msg = jnp.take(feat, src, axis=0)
    summ = jax.ops.segment_sum(msg, dst, num_segments=n_nodes)
    deg = jax.ops.segment_sum(jnp.ones((src.shape[0],), dtype=feat.dtype), dst, num_segments=n_nodes)
    return summ / jnp.clip(deg, 1.0)[:, None]


def reference(feat, edge_index, W):
    src = edge_index[0]
    dst = edge_index[1]
    # fwd_sage_conv on original graph: messages flow src -> dst
    fwd_neigh = _mean_agg(feat, src, dst, N)
    # bwd_sage_conv on reversed graph: messages flow dst -> src
    bwd_neigh = _mean_agg(feat, dst, src, N)
    cat = jnp.concatenate([fwd_neigh, bwd_neigh], axis=1)
    # fc_neigh (no bias, no activation, no norm per default init_kwargs)
    neigh_rst = cat @ W.T
    return neigh_rst

if __name__ == "__main__":
    import jax
    _d = setup_inputs()
    print(jax.jit(kernel)(*tuple(_d.values())))

</pallas_src>

<mosaic_0001>
#map = affine_map<(d0, d1) -> (0, 0)>
#map1 = affine_map<(d0, d1) -> (0, 0, 0, 0, 0)>
#map2 = affine_map<(d0, d1) -> (0, 0, 0, 0)>
#map3 = affine_map<(d0, d1) -> (0, 0, 0)>
module attributes {stable_mosaic.version = 14 : i64} {
  func.func @_sc_dir_body(%arg0: i32, %arg1: i32, %arg2: memref<20000x128xf32, #tpu.memory_space<hbm>>, %arg3: memref<2x16x125x1x80xi32, #tpu.memory_space<hbm>>, %arg4: memref<16x125x1x80xi32, #tpu.memory_space<hbm>>, %arg5: memref<2x16x64x1x80xi32, #tpu.memory_space<hbm>>, %arg6: memref<640x128xf32, #tpu.memory_space<hbm>>, %arg7: memref<80x128xf32, #tpu.memory_space<hbm>>, %arg8: memref<2x10240x128xf32, #tpu.memory_space<hbm>>, %arg9: memref<2x10240x128xf32, #tpu.memory_space<hbm>>, %arg10: memref<10240x128xf32, #tpu.memory_space<vmem_shared>>, %arg11: memref<80xi32, #tpu.memory_space<vmem>>, %arg12: memref<80xi32, #tpu.memory_space<vmem>>, %arg13: memref<80xi32, #tpu.memory_space<vmem>>, %arg14: memref<80xi32, #tpu.memory_space<vmem>>, %arg15: memref<80x128xf32, #tpu.memory_space<vmem>>, %arg16: memref<80x128xf32, #tpu.memory_space<vmem>>, %arg17: memref<80x128xf32, #tpu.memory_space<vmem>>, %arg18: memref<!tpu.dma_semaphore, #tpu.memory_space<semaphore_mem>>, %arg19: memref<!tpu.dma_semaphore, #tpu.memory_space<semaphore_mem>>) attributes {dimension_semantics = [#tpu.dimension_semantics<core_parallel>, #tpu.dimension_semantics<subcore_parallel>], iteration_bounds = array<i64: 2, 16>, scalar_prefetch = 0 : i64, scratch_operands = 10 : i64, tpu.core_type = #tpu.core_type<sc_vector_subcore>, window_params = [{transform_indices = #map}, {transform_indices = #map1}, {transform_indices = #map2}, {transform_indices = #map1}, {transform_indices = #map}, {transform_indices = #map}, {transform_indices = #map3}, {transform_indices = #map3}]} {
    "tpu.region"() ({
      %run_scoped3A_75 = tpu.sem_alloc : memref<!tpu.dma_semaphore, #tpu.memory_space<semaphore_mem>>
      tpu.enqueue_dma source(%arg7 : memref<80x128xf32, #tpu.memory_space<hbm>>) target(%arg17 : memref<80x128xf32, #tpu.memory_space<vmem>>) target_semaphore(%run_scoped3A_75 : memref<!tpu.dma_semaphore, #tpu.memory_space<semaphore_mem>>)
      tpu.wait_dma2 semaphore(%run_scoped3A_75 : memref<!tpu.dma_semaphore, #tpu.memory_space<semaphore_mem>>) src(%arg7 : memref<80x128xf32, #tpu.memory_space<hbm>>) dst(%arg17 : memref<80x128xf32, #tpu.memory_space<vmem>>)
      tpu.yield
    }) : () -> ()
    %mul3A = arith.constant 640 : i32
    %mul3A_0 = arith.muli %arg1, %mul3A : i32
    "tpu.region"() ({
      %run_scoped3A_75 = tpu.sem_alloc : memref<!tpu.dma_semaphore, #tpu.memory_space<semaphore_mem>>
      %dma_start3A_76 = arith.constant 0 : i32
      %dma_start3A_77 = tpu.memref_slice %arg10[%mul3A_0, %dma_start3A_76] : memref<10240x128xf32, #tpu.memory_space<vmem_shared>> -> memref<640x128xf32, #tpu.memory_space<vmem_shared>>
      tpu.enqueue_dma source(%arg6 : memref<640x128xf32, #tpu.memory_space<hbm>>) target(%dma_start3A_77 : memref<640x128xf32, #tpu.memory_space<vmem_shared>>) target_semaphore(%run_scoped3A_75 : memref<!tpu.dma_semaphore, #tpu.memory_space<semaphore_mem>>)
      %dma_wait3A_78 = arith.constant 0 : i32
      %dma_wait3A_79 = tpu.memref_slice %arg10[%mul3A_0, %dma_wait3A_78] : memref<10240x128xf32, #tpu.memory_space<vmem_shared>> -> memref<640x128xf32, #tpu.memory_space<vmem_shared>>
      tpu.wait_dma2 semaphore(%run_scoped3A_75 : memref<!tpu.dma_semaphore, #tpu.memory_space<semaphore_mem>>) src(%arg6 : memref<640x128xf32, #tpu.memory_space<hbm>>) dst(%dma_wait3A_79 : memref<640x128xf32, #tpu.memory_space<vmem_shared>>)
      tpu.yield
    }) : () -> ()
    %barrier3A = arith.constant 0 : index
    tpu.barrier barrier_id(%barrier3A)
    %run_scoped3A = arith.constant 0 : i32
    %run_scoped3A_1 = arith.constant 0 : i32
    "tpu.region"() ({
      %run_scoped3A_75 = tpu.sem_alloc : memref<!tpu.dma_semaphore, #tpu.memory_space<semaphore_mem>>
      %dma_start3A_76 = arith.constant 0 : i32
      %dma_start3A_77 = tpu.memref_slice %arg3[%arg0, %arg1, %run_scoped3A, %run_scoped3A_1, %dma_start3A_76] : memref<2x16x125x1x80xi32, #tpu.memory_space<hbm>> -> memref<1x1x1x1x80xi32, #tpu.memory_space<hbm>>
      %dma_start3A_78 = tpu.memref_squeeze %dma_start3A_77 : memref<1x1x1x1x80xi32, #tpu.memory_space<hbm>> -> memref<80xi32, #tpu.memory_space<hbm>>
      %dma_start3A_79 = arith.constant 0 : i32
      %dma_start3A_80 = tpu.memref_slice %arg3[%arg0, %arg1, %run_scoped3A, %run_scoped3A_1, %dma_start3A_79] : memref<2x16x125x1x80xi32, #tpu.memory_space<hbm>> -> memref<1x1x1x1x80xi32, #tpu.memory_space<hbm>>
      %dma_start3A_81 = tpu.memref_squeeze %dma_start3A_80 : memref<1x1x1x1x80xi32, #tpu.memory_space<hbm>> -> memref<80xi32, #tpu.memory_space<hbm>>
      tpu.enqueue_dma source(%dma_start3A_81 : memref<80xi32, #tpu.memory_space<hbm>>) target(%arg11 : memref<80xi32, #tpu.memory_space<vmem>>) target_semaphore(%run_scoped3A_75 : memref<!tpu.dma_semaphore, #tpu.memory_space<semaphore_mem>>)
      %dma_wait3A_82 = arith.constant 0 : i32
      %dma_wait3A_83 = tpu.memref_slice %arg3[%arg0, %arg1, %run_scoped3A, %run_scoped3A_1, %dma_wait3A_82] : memref<2x16x125x1x80xi32, #tpu.memory_space<hbm>> -> memref<1x1x1x1x80xi32, #tpu.memory_space<hbm>>
      %dma_wait3A_84 = tpu.memref_squeeze %dma_wait3A_83 : memref<1x1x1x1x80xi32, #tpu.memory_space<hbm>> -> memref<80xi32, #tpu.memory_space<hbm>>
      %dma_wait3A_85 = arith.constant 0 : i32
      %dma_wait3A_86 = tpu.memref_slice %arg3[%arg0, %arg1, %run_scoped3A, %run_scoped3A_1, %dma_wait3A_85] : memref<2x16x125x1x80xi32, #tpu.memory_space<hbm>> -> memref<1x1x1x1x80xi32, #tpu.memory_space<hbm>>
      %dma_wait3A_87 = tpu.memref_squeeze %dma_wait3A_86 : memref<1x1x1x1x80xi32, #tpu.memory_space<hbm>> -> memref<80xi32, #tpu.memory_space<hbm>>
      tpu.wait_dma2 semaphore(%run_scoped3A_75 : memref<!tpu.dma_semaphore, #tpu.memory_space<semaphore_mem>>) src(%dma_wait3A_87 : memref<80xi32, #tpu.memory_space<hbm>>) dst(%arg11 : memref<80xi32, #tpu.memory_space<vmem>>)
      tpu.yield
    }) : () -> ()
    %run_scoped3A_2 = arith.constant 0 : i32
    %run_scoped3A_3 = arith.constant 0 : i32
    "tpu.region"() ({
      %run_scoped3A_75 = tpu.sem_alloc : memref<!tpu.dma_semaphore, #tpu.memory_space<semaphore_mem>>
      %dma_start3A_76 = arith.constant 0 : i32
      %dma_start3A_77 = tpu.memref_slice %arg4[%arg1, %run_scoped3A_2, %run_scoped3A_3, %dma_start3A_76] : memref<16x125x1x80xi32, #tpu.memory_space<hbm>> -> memref<1x1x1x80xi32, #tpu.memory_space<hbm>>
      %dma_start3A_78 = tpu.memref_squeeze %dma_start3A_77 : memref<1x1x1x80xi32, #tpu.memory_space<hbm>> -> memref<80xi32, #tpu.memory_space<hbm>>
      %dma_start3A_79 = arith.constant 0 : i32
      %dma_start3A_80 = tpu.memref_slice %arg4[%arg1, %run_scoped3A_2, %run_scoped3A_3, %dma_start3A_79] : memref<16x125x1x80xi32, #tpu.memory_space<hbm>> -> memref<1x1x1x80xi32, #tpu.memory_space<hbm>>
      %dma_start3A_81 = tpu.memref_squeeze %dma_start3A_80 : memref<1x1x1x80xi32, #tpu.memory_space<hbm>> -> memref<80xi32, #tpu.memory_space<hbm>>
      tpu.enqueue_dma source(%dma_start3A_81 : memref<80xi32, #tpu.memory_space<hbm>>) target(%arg12 : memref<80xi32, #tpu.memory_space<vmem>>) target_semaphore(%run_scoped3A_75 : memref<!tpu.dma_semaphore, #tpu.memory_space<semaphore_mem>>)
      %dma_wait3A_82 = arith.constant 0 : i32
      %dma_wait3A_83 = tpu.memref_slice %arg4[%arg1, %run_scoped3A_2, %run_scoped3A_3, %dma_wait3A_82] : memref<16x125x1x80xi32, #tpu.memory_space<hbm>> -> memref<1x1x1x80xi32, #tpu.memory_space<hbm>>
      %dma_wait3A_84 = tpu.memref_squeeze %dma_wait3A_83 : memref<1x1x1x80xi32, #tpu.memory_space<hbm>> -> memref<80xi32, #tpu.memory_space<hbm>>
      %dma_wait3A_85 = arith.constant 0 : i32
      %dma_wait3A_86 = tpu.memref_slice %arg4[%arg1, %run_scoped3A_2, %run_scoped3A_3, %dma_wait3A_85] : memref<16x125x1x80xi32, #tpu.memory_space<hbm>> -> memref<1x1x1x80xi32, #tpu.memory_space<hbm>>
      %dma_wait3A_87 = tpu.memref_squeeze %dma_wait3A_86 : memref<1x1x1x80xi32, #tpu.memory_space<hbm>> -> memref<80xi32, #tpu.memory_space<hbm>>
      tpu.wait_dma2 semaphore(%run_scoped3A_75 : memref<!tpu.dma_semaphore, #tpu.memory_space<semaphore_mem>>) src(%dma_wait3A_87 : memref<80xi32, #tpu.memory_space<hbm>>) dst(%arg12 : memref<80xi32, #tpu.memory_space<vmem>>)
      tpu.yield
    }) : () -> ()
    %dma_start3A = arith.constant 0 : i32
    %dma_start3A_4 = arith.constant 0 : i32
    %dma_start3A_5 = tpu.memref_slice %arg2[%dma_start3A, %dma_start3A_4] : memref<20000x128xf32, #tpu.memory_space<hbm>> -> memref<20000x128xf32, #tpu.memory_space<hbm>>
    tpu.enqueue_indirect_dma source(%dma_start3A_5 : memref<20000x128xf32, #tpu.memory_space<hbm>>) target(%arg15 : memref<80x128xf32, #tpu.memory_space<vmem>>) offsets(%arg11 : memref<80xi32, #tpu.memory_space<vmem>>) semaphore(%arg18 : memref<!tpu.dma_semaphore, #tpu.memory_space<semaphore_mem>>)
    %run_scoped3A_6 = arith.constant 1 : i32
    %run_scoped3A_7 = arith.constant 0 : i32
    "tpu.region"() ({
      %run_scoped3A_75 = tpu.sem_alloc : memref<!tpu.dma_semaphore, #tpu.memory_space<semaphore_mem>>
      %dma_start3A_76 = arith.constant 0 : i32
      %dma_start3A_77 = tpu.memref_slice %arg3[%arg0, %arg1, %run_scoped3A_6, %run_scoped3A_7, %dma_start3A_76] : memref<2x16x125x1x80xi32, #tpu.memory_space<hbm>> -> memref<1x1x1x1x80xi32, #tpu.memory_space<hbm>>
      %dma_start3A_78 = tpu.memref_squeeze %dma_start3A_77 : memref<1x1x1x1x80xi32, #tpu.memory_space<hbm>> -> memref<80xi32, #tpu.memory_space<hbm>>
      %dma_start3A_79 = arith.constant 0 : i32
      %dma_start3A_80 = tpu.memref_slice %arg3[%arg0, %arg1, %run_scoped3A_6, %run_scoped3A_7, %dma_start3A_79] : memref<2x16x125x1x80xi32, #tpu.memory_space<hbm>> -> memref<1x1x1x1x80xi32, #tpu.memory_space<hbm>>
      %dma_start3A_81 = tpu.memref_squeeze %dma_start3A_80 : memref<1x1x1x1x80xi32, #tpu.memory_space<hbm>> -> memref<80xi32, #tpu.memory_space<hbm>>
      tpu.enqueue_dma source(%dma_start3A_81 : memref<80xi32, #tpu.memory_space<hbm>>) target(%arg13 : memref<80xi32, #tpu.memory_space<vmem>>) target_semaphore(%run_scoped3A_75 : memref<!tpu.dma_semaphore, #tpu.memory_space<semaphore_mem>>)
      %dma_wait3A_82 = arith.constant 0 : i32
      %dma_wait3A_83 = tpu.memref_slice %arg3[%arg0, %arg1, %run_scoped3A_6, %run_scoped3A_7, %dma_wait3A_82] : memref<2x16x125x1x80xi32, #tpu.memory_space<hbm>> -> memref<1x1x1x1x80xi32, #tpu.memory_space<hbm>>
      %dma_wait3A_84 = tpu.memref_squeeze %dma_wait3A_83 : memref<1x1x1x1x80xi32, #tpu.memory_space<hbm>> -> memref<80xi32, #tpu.memory_space<hbm>>
      %dma_wait3A_85 = arith.constant 0 : i32
      %dma_wait3A_86 = tpu.memref_slice %arg3[%arg0, %arg1, %run_scoped3A_6, %run_scoped3A_7, %dma_wait3A_85] : memref<2x16x125x1x80xi32, #tpu.memory_space<hbm>> -> memref<1x1x1x1x80xi32, #tpu.memory_space<hbm>>
      %dma_wait3A_87 = tpu.memref_squeeze %dma_wait3A_86 : memref<1x1x1x1x80xi32, #tpu.memory_space<hbm>> -> memref<80xi32, #tpu.memory_space<hbm>>
      tpu.wait_dma2 semaphore(%run_scoped3A_75 : memref<!tpu.dma_semaphore, #tpu.memory_space<semaphore_mem>>) src(%dma_wait3A_87 : memref<80xi32, #tpu.memory_space<hbm>>) dst(%arg13 : memref<80xi32, #tpu.memory_space<vmem>>)
      tpu.yield
    }) : () -> ()
    %run_scoped3A_8 = arith.constant 1 : i32
    %run_scoped3A_9 = arith.constant 0 : i32
    "tpu.region"() ({
      %run_scoped3A_75 = tpu.sem_alloc : memref<!tpu.dma_semaphore, #tpu.memory_space<semaphore_mem>>
      %dma_start3A_76 = arith.constant 0 : i32
      %dma_start3A_77 = tpu.memref_slice %arg4[%arg1, %run_scoped3A_8, %run_scoped3A_9, %dma_start3A_76] : memref<16x125x1x80xi32, #tpu.memory_space<hbm>> -> memref<1x1x1x80xi32, #tpu.memory_space<hbm>>
      %dma_start3A_78 = tpu.memref_squeeze %dma_start3A_77 : memref<1x1x1x80xi32, #tpu.memory_space<hbm>> -> memref<80xi32, #tpu.memory_space<hbm>>
      %dma_start3A_79 = arith.constant 0 : i32
      %dma_start3A_80 = tpu.memref_slice %arg4[%arg1, %run_scoped3A_8, %run_scoped3A_9, %dma_start3A_79] : memref<16x125x1x80xi32, #tpu.memory_space<hbm>> -> memref<1x1x1x80xi32, #tpu.memory_space<hbm>>
      %dma_start3A_81 = tpu.memref_squeeze %dma_start3A_80 : memref<1x1x1x80xi32, #tpu.memory_space<hbm>> -> memref<80xi32, #tpu.memory_space<hbm>>
      tpu.enqueue_dma source(%dma_start3A_81 : memref<80xi32, #tpu.memory_space<hbm>>) target(%arg14 : memref<80xi32, #tpu.memory_space<vmem>>) target_semaphore(%run_scoped3A_75 : memref<!tpu.dma_semaphore, #tpu.memory_space<semaphore_mem>>)
      %dma_wait3A_82 = arith.constant 0 : i32
      %dma_wait3A_83 = tpu.memref_slice %arg4[%arg1, %run_scoped3A_8, %run_scoped3A_9, %dma_wait3A_82] : memref<16x125x1x80xi32, #tpu.memory_space<hbm>> -> memref<1x1x1x80xi32, #tpu.memory_space<hbm>>
      %dma_wait3A_84 = tpu.memref_squeeze %dma_wait3A_83 : memref<1x1x1x80xi32, #tpu.memory_space<hbm>> -> memref<80xi32, #tpu.memory_space<hbm>>
      %dma_wait3A_85 = arith.constant 0 : i32
      %dma_wait3A_86 = tpu.memref_slice %arg4[%arg1, %run_scoped3A_8, %run_scoped3A_9, %dma_wait3A_85] : memref<16x125x1x80xi32, #tpu.memory_space<hbm>> -> memref<1x1x1x80xi32, #tpu.memory_space<hbm>>
      %dma_wait3A_87 = tpu.memref_squeeze %dma_wait3A_86 : memref<1x1x1x80xi32, #tpu.memory_space<hbm>> -> memref<80xi32, #tpu.memory_space<hbm>>
      tpu.wait_dma2 semaphore(%run_scoped3A_75 : memref<!tpu.dma_semaphore, #tpu.memory_space<semaphore_mem>>) src(%dma_wait3A_87 : memref<80xi32, #tpu.memory_space<hbm>>) dst(%arg14 : memref<80xi32, #tpu.memory_space<vmem>>)
      tpu.yield
    }) : () -> ()
    %dma_start3A_10 = arith.constant 0 : i32
    %dma_start3A_11 = arith.constant 0 : i32
    %dma_start3A_12 = tpu.memref_slice %arg2[%dma_start3A_10, %dma_start3A_11] : memref<20000x128xf32, #tpu.memory_space<hbm>> -> memref<20000x128xf32, #tpu.memory_space<hbm>>
    tpu.enqueue_indirect_dma source(%dma_start3A_12 : memref<20000x128xf32, #tpu.memory_space<hbm>>) target(%arg16 : memref<80x128xf32, #tpu.memory_space<vmem>>) offsets(%arg13 : memref<80xi32, #tpu.memory_space<vmem>>) semaphore(%arg19 : memref<!tpu.dma_semaphore, #tpu.memory_space<semaphore_mem>>)
    %scan3A = arith.constant 0 : i32
    %scan3A_13 = arith.constant 0 : i32
    %scan3A_14 = arith.constant 62 : i32
    %scan3A_15 = arith.addi %scan3A_13, %scan3A_14 : i32
    %scan3A_16 = arith.constant 1 : i32
    scf.for %scan3A_75 = %scan3A_13 to %scan3A_15 step %scan3A_16  : i32 {
      %mul3A_76 = arith.constant 2 : i32
      %mul3A_77 = arith.muli %mul3A_76, %scan3A_75 : i32
      %dma_wait3A_78 = arith.constant 0 : i32
      %dma_wait3A_79 = arith.constant 0 : i32
      %dma_wait3A_80 = tpu.memref_slice %arg2[%dma_wait3A_78, %dma_wait3A_79] : memref<20000x128xf32, #tpu.memory_space<hbm>> -> memref<20000x128xf32, #tpu.memory_space<hbm>>
      tpu.wait_indirect_dma semaphore(%arg18 : memref<!tpu.dma_semaphore, #tpu.memory_space<semaphore_mem>>) src(%dma_wait3A_80 : memref<20000x128xf32, #tpu.memory_space<hbm>>) dst(%arg15 : memref<80x128xf32, #tpu.memory_space<vmem>>)
      "tpu.region"() ({
        %run_scoped3A_100 = tpu.sem_alloc : memref<!tpu.dma_semaphore, #tpu.memory_space<semaphore_mem>>
        %dma_start3A_101 = arith.constant 0 : i32
        %dma_start3A_102 = arith.constant 0 : i32
        %dma_start3A_103 = tpu.memref_slice %arg10[%dma_start3A_101, %dma_start3A_102] : memref<10240x128xf32, #tpu.memory_space<vmem_shared>> -> memref<10240x128xf32, #tpu.memory_space<vmem_shared>>
        tpu.enqueue_indirect_dma source(%arg15 : memref<80x128xf32, #tpu.memory_space<vmem>>) target(%dma_start3A_103 : memref<10240x128xf32, #tpu.memory_space<vmem_shared>>) offsets(%arg12 : memref<80xi32, #tpu.memory_space<vmem>>) semaphore(%run_scoped3A_100 : memref<!tpu.dma_semaphore, #tpu.memory_space<semaphore_mem>>) {add = true}
        %dma_wait3A_104 = arith.constant 0 : i32
        %dma_wait3A_105 = arith.constant 0 : i32
        %dma_wait3A_106 = tpu.memref_slice %arg10[%dma_wait3A_104, %dma_wait3A_105] : memref<10240x128xf32, #tpu.memory_space<vmem_shared>> -> memref<10240x128xf32, #tpu.memory_space<vmem_shared>>
        tpu.wait_indirect_dma semaphore(%run_scoped3A_100 : memref<!tpu.dma_semaphore, #tpu.memory_space<semaphore_mem>>) src(%arg15 : memref<80x128xf32, #tpu.memory_space<vmem>>) dst(%dma_wait3A_106 : memref<10240x128xf32, #tpu.memory_space<vmem_shared>>)
        tpu.yield
      }) : () -> ()
      %add3A = arith.constant 2 : i32
      %add3A_81 = arith.addi %mul3A_77, %add3A : i32
      %min3A = arith.constant 124 : i32
      %min3A_82 = arith.minsi %add3A_81, %min3A : i32
      %run_scoped3A_83 = arith.constant 0 : i32
      "tpu.region"() ({
        %run_scoped3A_100 = tpu.sem_alloc : memref<!tpu.dma_semaphore, #tpu.memory_space<semaphore_mem>>
        %dma_start3A_101 = arith.constant 0 : i32
        %dma_start3A_102 = tpu.memref_slice %arg3[%arg0, %arg1, %min3A_82, %run_scoped3A_83, %dma_start3A_101] : memref<2x16x125x1x80xi32, #tpu.memory_space<hbm>> -> memref<1x1x1x1x80xi32, #tpu.memory_space<hbm>>
        %dma_start3A_103 = tpu.memref_squeeze %dma_start3A_102 : memref<1x1x1x1x80xi32, #tpu.memory_space<hbm>> -> memref<80xi32, #tpu.memory_space<hbm>>
        %dma_start3A_104 = arith.constant 0 : i32
        %dma_start3A_105 = tpu.memref_slice %arg3[%arg0, %arg1, %min3A_82, %run_scoped3A_83, %dma_start3A_104] : memref<2x16x125x1x80xi32, #tpu.memory_space<hbm>> -> memref<1x1x1x1x80xi32, #tpu.memory_space<hbm>>
        %dma_start3A_106 = tpu.memref_squeeze %dma_start3A_105 : memref<1x1x1x1x80xi32, #tpu.memory_space<hbm>> -> memref<80xi32, #tpu.memory_space<hbm>>
        tpu.enqueue_dma source(%dma_start3A_106 : memref<80xi32, #tpu.memory_space<hbm>>) target(%arg11 : memref<80xi32, #tpu.memory_space<vmem>>) target_semaphore(%run_scoped3A_100 : memref<!tpu.dma_semaphore, #tpu.memory_space<semaphore_mem>>)
        %dma_wait3A_107 = arith.constant 0 : i32
        %dma_wait3A_108 = tpu.memref_slice %arg3[%arg0, %arg1, %min3A_82, %run_scoped3A_83, %dma_wait3A_107] : memref<2x16x125x1x80xi32, #tpu.memory_space<hbm>> -> memref<1x1x1x1x80xi32, #tpu.memory_space<hbm>>
        %dma_wait3A_109 = tpu.memref_squeeze %dma_wait3A_108 : memref<1x1x1x1x80xi32, #tpu.memory_space<hbm>> -> memref<80xi32, #tpu.memory_space<hbm>>
        %dma_wait3A_110 = arith.constant 0 : i32
        %dma_wait3A_111 = tpu.memref_slice %arg3[%arg0, %arg1, %min3A_82, %run_scoped3A_83, %dma_wait3A_110] : memref<2x16x125x1x80xi32, #tpu.memory_space<hbm>> -> memref<1x1x1x1x80xi32, #tpu.memory_space<hbm>>
        %dma_wait3A_112 = tpu.memref_squeeze %dma_wait3A_111 : memref<1x1x1x1x80xi32, #tpu.memory_space<hbm>> -> memref<80xi32, #tpu.memory_space<hbm>>
        tpu.wait_dma2 semaphore(%run_scoped3A_100 : memref<!tpu.dma_semaphore, #tpu.memory_space<semaphore_mem>>) src(%dma_wait3A_112 : memref<80xi32, #tpu.memory_space<hbm>>) dst(%arg11 : memref<80xi32, #tpu.memory_space<vmem>>)
        tpu.yield
      }) : () -> ()
      %run_scoped3A_84 = arith.constant 0 : i32
      "tpu.region"() ({
        %run_scoped3A_100 = tpu.sem_alloc : memref<!tpu.dma_semaphore, #tpu.memory_space<semaphore_mem>>
        %dma_start3A_101 = arith.constant 0 : i32
        %dma_start3A_102 = tpu.memref_slice %arg4[%arg1, %min3A_82, %run_scoped3A_84, %dma_start3A_101] : memref<16x125x1x80xi32, #tpu.memory_space<hbm>> -> memref<1x1x1x80xi32, #tpu.memory_space<hbm>>
        %dma_start3A_103 = tpu.memref_squeeze %dma_start3A_102 : memref<1x1x1x80xi32, #tpu.memory_space<hbm>> -> memref<80xi32, #tpu.memory_space<hbm>>
        %dma_start3A_104 = arith.constant 0 : i32
        %dma_start3A_105 = tpu.memref_slice %arg4[%arg1, %min3A_82, %run_scoped3A_84, %dma_start3A_104] : memref<16x125x1x80xi32, #tpu.memory_space<hbm>> -> memref<1x1x1x80xi32, #tpu.memory_space<hbm>>
        %dma_start3A_106 = tpu.memref_squeeze %dma_start3A_105 : memref<1x1x1x80xi32, #tpu.memory_space<hbm>> -> memref<80xi32, #tpu.memory_space<hbm>>
        tpu.enqueue_dma source(%dma_start3A_106 : memref<80xi32, #tpu.memory_space<hbm>>) target(%arg12 : memref<80xi32, #tpu.memory_space<vmem>>) target_semaphore(%run_scoped3A_100 : memref<!tpu.dma_semaphore, #tpu.memory_space<semaphore_mem>>)
        %dma_wait3A_107 = arith.constant 0 : i32
        %dma_wait3A_108 = tpu.memref_slice %arg4[%arg1, %min3A_82, %run_scoped3A_84, %dma_wait3A_107] : memref<16x125x1x80xi32, #tpu.memory_space<hbm>> -> memref<1x1x1x80xi32, #tpu.memory_space<hbm>>
        %dma_wait3A_109 = tpu.memref_squeeze %dma_wait3A_108 : memref<1x1x1x80xi32, #tpu.memory_space<hbm>> -> memref<80xi32, #tpu.memory_space<hbm>>
        %dma_wait3A_110 = arith.constant 0 : i32
        %dma_wait3A_111 = tpu.memref_slice %arg4[%arg1, %min3A_82, %run_scoped3A_84, %dma_wait3A_110] : memref<16x125x1x80xi32, #tpu.memory_space<hbm>> -> memref<1x1x1x80xi32, #tpu.memory_space<hbm>>
        %dma_wait3A_112 = tpu.memref_squeeze %dma_wait3A_111 : memref<1x1x1x80xi32, #tpu.memory_space<hbm>> -> memref<80xi32, #tpu.memory_space<hbm>>
        tpu.wait_dma2 semaphore(%run_scoped3A_100 : memref<!tpu.dma_semaphore, #tpu.memory_space<semaphore_mem>>) src(%dma_wait3A_112 : memref<80xi32, #tpu.memory_space<hbm>>) dst(%arg12 : memref<80xi32, #tpu.memory_space<vmem>>)
        tpu.yield
      }) : () -> ()
      %dma_start3A_85 = arith.constant 0 : i32
      %dma_start3A_86 = arith.constant 0 : i32
      %dma_start3A_87 = tpu.memref_slice %arg2[%dma_start3A_85, %dma_start3A_86] : memref<20000x128xf32, #tpu.memory_space<hbm>> -> memref<20000x128xf32, #tpu.memory_space<hbm>>
      tpu.enqueue_indirect_dma source(%dma_start3A_87 : memref<20000x128xf32, #tpu.memory_space<hbm>>) target(%arg15 : memref<80x128xf32, #tpu.memory_space<vmem>>) offsets(%arg11 : memref<80xi32, #tpu.memory_space<vmem>>) semaphore(%arg18 : memref<!tpu.dma_semaphore, #tpu.memory_space<semaphore_mem>>)
      %dma_wait3A_88 = arith.constant 0 : i32
      %dma_wait3A_89 = arith.constant 0 : i32
      %dma_wait3A_90 = tpu.memref_slice %arg2[%dma_wait3A_88, %dma_wait3A_89] : memref<20000x128xf32, #tpu.memory_space<hbm>> -> memref<20000x128xf32, #tpu.memory_space<hbm>>
      tpu.wait_indirect_dma semaphore(%arg19 : memref<!tpu.dma_semaphore, #tpu.memory_space<semaphore_mem>>) src(%dma_wait3A_90 : memref<20000x128xf32, #tpu.memory_space<hbm>>) dst(%arg16 : memref<80x128xf32, #tpu.memory_space<vmem>>)
      "tpu.region"() ({
        %run_scoped3A_100 = tpu.sem_alloc : memref<!tpu.dma_semaphore, #tpu.memory_space<semaphore_mem>>
        %dma_start3A_101 = arith.constant 0 : i32
        %dma_start3A_102 = arith.constant 0 : i32
        %dma_start3A_103 = tpu.memref_slice %arg10[%dma_start3A_101, %dma_start3A_102] : memref<10240x128xf32, #tpu.memory_space<vmem_shared>> -> memref<10240x128xf32, #tpu.memory_space<vmem_shared>>
        tpu.enqueue_indirect_dma source(%arg16 : memref<80x128xf32, #tpu.memory_space<vmem>>) target(%dma_start3A_103 : memref<10240x128xf32, #tpu.memory_space<vmem_shared>>) offsets(%arg14 : memref<80xi32, #tpu.memory_space<vmem>>) semaphore(%run_scoped3A_100 : memref<!tpu.dma_semaphore, #tpu.memory_space<semaphore_mem>>) {add = true}
        %dma_wait3A_104 = arith.constant 0 : i32
        %dma_wait3A_105 = arith.constant 0 : i32
        %dma_wait3A_106 = tpu.memref_slice %arg10[%dma_wait3A_104, %dma_wait3A_105] : memref<10240x128xf32, #tpu.memory_space<vmem_shared>> -> memref<10240x128xf32, #tpu.memory_space<vmem_shared>>
        tpu.wait_indirect_dma semaphore(%run_scoped3A_100 : memref<!tpu.dma_semaphore, #tpu.memory_space<semaphore_mem>>) src(%arg16 : memref<80x128xf32, #tpu.memory_space<vmem>>) dst(%dma_wait3A_106 : memref<10240x128xf32, #tpu.memory_space<vmem_shared>>)
        tpu.yield
      }) : () -> ()
      %add3A_91 = arith.constant 3 : i32
      %add3A_92 = arith.addi %mul3A_77, %add3A_91 : i32
      %min3A_93 = arith.constant 124 : i32
      %min3A_94 = arith.minsi %add3A_92, %min3A_93 : i32
      %run_scoped3A_95 = arith.constant 0 : i32
      "tpu.region"() ({
        %run_scoped3A_100 = tpu.sem_alloc : memref<!tpu.dma_semaphore, #tpu.memory_space<semaphore_mem>>
        %dma_start3A_101 = arith.constant 0 : i32
        %dma_start3A_102 = tpu.memref_slice %arg3[%arg0, %arg1, %min3A_94, %run_scoped3A_95, %dma_start3A_101] : memref<2x16x125x1x80xi32, #tpu.memory_space<hbm>> -> memref<1x1x1x1x80xi32, #tpu.memory_space<hbm>>
        %dma_start3A_103 = tpu.memref_squeeze %dma_start3A_102 : memref<1x1x1x1x80xi32, #tpu.memory_space<hbm>> -> memref<80xi32, #tpu.memory_space<hbm>>
        %dma_start3A_104 = arith.constant 0 : i32
        %dma_start3A_105 = tpu.memref_slice %arg3[%arg0, %arg1, %min3A_94, %run_scoped3A_95, %dma_start3A_104] : memref<2x16x125x1x80xi32, #tpu.memory_space<hbm>> -> memref<1x1x1x1x80xi32, #tpu.memory_space<hbm>>
        %dma_start3A_106 = tpu.memref_squeeze %dma_start3A_105 : memref<1x1x1x1x80xi32, #tpu.memory_space<hbm>> -> memref<80xi32, #tpu.memory_space<hbm>>
        tpu.enqueue_dma source(%dma_start3A_106 : memref<80xi32, #tpu.memory_space<hbm>>) target(%arg13 : memref<80xi32, #tpu.memory_space<vmem>>) target_semaphore(%run_scoped3A_100 : memref<!tpu.dma_semaphore, #tpu.memory_space<semaphore_mem>>)
        %dma_wait3A_107 = arith.constant 0 : i32
        %dma_wait3A_108 = tpu.memref_slice %arg3[%arg0, %arg1, %min3A_94, %run_scoped3A_95, %dma_wait3A_107] : memref<2x16x125x1x80xi32, #tpu.memory_space<hbm>> -> memref<1x1x1x1x80xi32, #tpu.memory_space<hbm>>
        %dma_wait3A_109 = tpu.memref_squeeze %dma_wait3A_108 : memref<1x1x1x1x80xi32, #tpu.memory_space<hbm>> -> memref<80xi32, #tpu.memory_space<hbm>>
        %dma_wait3A_110 = arith.constant 0 : i32
        %dma_wait3A_111 = tpu.memref_slice %arg3[%arg0, %arg1, %min3A_94, %run_scoped3A_95, %dma_wait3A_110] : memref<2x16x125x1x80xi32, #tpu.memory_space<hbm>> -> memref<1x1x1x1x80xi32, #tpu.memory_space<hbm>>
        %dma_wait3A_112 = tpu.memref_squeeze %dma_wait3A_111 : memref<1x1x1x1x80xi32, #tpu.memory_space<hbm>> -> memref<80xi32, #tpu.memory_space<hbm>>
        tpu.wait_dma2 semaphore(%run_scoped3A_100 : memref<!tpu.dma_semaphore, #tpu.memory_space<semaphore_mem>>) src(%dma_wait3A_112 : memref<80xi32, #tpu.memory_space<hbm>>) dst(%arg13 : memref<80xi32, #tpu.memory_space<vmem>>)
        tpu.yield
      }) : () -> ()
      %run_scoped3A_96 = arith.constant 0 : i32
      "tpu.region"() ({
        %run_scoped3A_100 = tpu.sem_alloc : memref<!tpu.dma_semaphore, #tpu.memory_space<semaphore_mem>>
        %dma_start3A_101 = arith.constant 0 : i32
        %dma_start3A_102 = tpu.memref_slice %arg4[%arg1, %min3A_94, %run_scoped3A_96, %dma_start3A_101] : memref<16x125x1x80xi32, #tpu.memory_space<hbm>> -> memref<1x1x1x80xi32, #tpu.memory_space<hbm>>
        %dma_start3A_103 = tpu.memref_squeeze %dma_start3A_102 : memref<1x1x1x80xi32, #tpu.memory_space<hbm>> -> memref<80xi32, #tpu.memory_space<hbm>>
        %dma_start3A_104 = arith.constant 0 : i32
        %dma_start3A_105 = tpu.memref_slice %arg4[%arg1, %min3A_94, %run_scoped3A_96, %dma_start3A_104] : memref<16x125x1x80xi32, #tpu.memory_space<hbm>> -> memref<1x1x1x80xi32, #tpu.memory_space<hbm>>
        %dma_start3A_106 = tpu.memref_squeeze %dma_start3A_105 : memref<1x1x1x80xi32, #tpu.memory_space<hbm>> -> memref<80xi32, #tpu.memory_space<hbm>>
        tpu.enqueue_dma source(%dma_start3A_106 : memref<80xi32, #tpu.memory_space<hbm>>) target(%arg14 : memref<80xi32, #tpu.memory_space<vmem>>) target_semaphore(%run_scoped3A_100 : memref<!tpu.dma_semaphore, #tpu.memory_space<semaphore_mem>>)
        %dma_wait3A_107 = arith.constant 0 : i32
        %dma_wait3A_108 = tpu.memref_slice %arg4[%arg1, %min3A_94, %run_scoped3A_96, %dma_wait3A_107] : memref<16x125x1x80xi32, #tpu.memory_space<hbm>> -> memref<1x1x1x80xi32, #tpu.memory_space<hbm>>
        %dma_wait3A_109 = tpu.memref_squeeze %dma_wait3A_108 : memref<1x1x1x80xi32, #tpu.memory_space<hbm>> -> memref<80xi32, #tpu.memory_space<hbm>>
        %dma_wait3A_110 = arith.constant 0 : i32
        %dma_wait3A_111 = tpu.memref_slice %arg4[%arg1, %min3A_94, %run_scoped3A_96, %dma_wait3A_110] : memref<16x125x1x80xi32, #tpu.memory_space<hbm>> -> memref<1x1x1x80xi32, #tpu.memory_space<hbm>>
        %dma_wait3A_112 = tpu.memref_squeeze %dma_wait3A_111 : memref<1x1x1x80xi32, #tpu.memory_space<hbm>> -> memref<80xi32, #tpu.memory_space<hbm>>
        tpu.wait_dma2 semaphore(%run_scoped3A_100 : memref<!tpu.dma_semaphore, #tpu.memory_space<semaphore_mem>>) src(%dma_wait3A_112 : memref<80xi32, #tpu.memory_space<hbm>>) dst(%arg14 : memref<80xi32, #tpu.memory_space<vmem>>)
        tpu.yield
      }) : () -> ()
      %dma_start3A_97 = arith.constant 0 : i32
      %dma_start3A_98 = arith.constant 0 : i32
      %dma_start3A_99 = tpu.memref_slice %arg2[%dma_start3A_97, %dma_start3A_98] : memref<20000x128xf32, #tpu.memory_space<hbm>> -> memref<20000x128xf32, #tpu.memory_space<hbm>>
      tpu.enqueue_indirect_dma source(%dma_start3A_99 : memref<20000x128xf32, #tpu.memory_space<hbm>>) target(%arg16 : memref<80x128xf32, #tpu.memory_space<vmem>>) offsets(%arg13 : memref<80xi32, #tpu.memory_space<vmem>>) semaphore(%arg19 : memref<!tpu.dma_semaphore, #tpu.memory_space<semaphore_mem>>)
    }
    %scan3A_17 = arith.constant 62 : i32
    %dma_wait3A = arith.constant 0 : i32
    %dma_wait3A_18 = arith.constant 0 : i32
    %dma_wait3A_19 = tpu.memref_slice %arg2[%dma_wait3A, %dma_wait3A_18] : memref<20000x128xf32, #tpu.memory_space<hbm>> -> memref<20000x128xf32, #tpu.memory_space<hbm>>
    tpu.wait_indirect_dma semaphore(%arg18 : memref<!tpu.dma_semaphore, #tpu.memory_space<semaphore_mem>>) src(%dma_wait3A_19 : memref<20000x128xf32, #tpu.memory_space<hbm>>) dst(%arg15 : memref<80x128xf32, #tpu.memory_space<vmem>>)
    "tpu.region"() ({
      %run_scoped3A_75 = tpu.sem_alloc : memref<!tpu.dma_semaphore, #tpu.memory_space<semaphore_mem>>
      %dma_start3A_76 = arith.constant 0 : i32
      %dma_start3A_77 = arith.constant 0 : i32
      %dma_start3A_78 = tpu.memref_slice %arg10[%dma_start3A_76, %dma_start3A_77] : memref<10240x128xf32, #tpu.memory_space<vmem_shared>> -> memref<10240x128xf32, #tpu.memory_space<vmem_shared>>
      tpu.enqueue_indirect_dma source(%arg15 : memref<80x128xf32, #tpu.memory_space<vmem>>) target(%dma_start3A_78 : memref<10240x128xf32, #tpu.memory_space<vmem_shared>>) offsets(%arg12 : memref<80xi32, #tpu.memory_space<vmem>>) semaphore(%run_scoped3A_75 : memref<!tpu.dma_semaphore, #tpu.memory_space<semaphore_mem>>) {add = true}
      %dma_wait3A_79 = arith.constant 0 : i32
      %dma_wait3A_80 = arith.constant 0 : i32
      %dma_wait3A_81 = tpu.memref_slice %arg10[%dma_wait3A_79, %dma_wait3A_80] : memref<10240x128xf32, #tpu.memory_space<vmem_shared>> -> memref<10240x128xf32, #tpu.memory_space<vmem_shared>>
      tpu.wait_indirect_dma semaphore(%run_scoped3A_75 : memref<!tpu.dma_semaphore, #tpu.memory_space<semaphore_mem>>) src(%arg15 : memref<80x128xf32, #tpu.memory_space<vmem>>) dst(%dma_wait3A_81 : memref<10240x128xf32, #tpu.memory_space<vmem_shared>>)
      tpu.yield
    }) : () -> ()
    %dma_wait3A_20 = arith.constant 0 : i32
    %dma_wait3A_21 = arith.constant 0 : i32
    %dma_wait3A_22 = tpu.memref_slice %arg2[%dma_wait3A_20, %dma_wait3A_21] : memref<20000x128xf32, #tpu.memory_space<hbm>> -> memref<20000x128xf32, #tpu.memory_space<hbm>>
    tpu.wait_indirect_dma semaphore(%arg19 : memref<!tpu.dma_semaphore, #tpu.memory_space<semaphore_mem>>) src(%dma_wait3A_22 : memref<20000x128xf32, #tpu.memory_space<hbm>>) dst(%arg16 : memref<80x128xf32, #tpu.memory_space<vmem>>)
    %barrier3A_23 = arith.constant 0 : index
    tpu.barrier barrier_id(%barrier3A_23)
    %mul3A_24 = arith.constant 640 : i32
    %mul3A_25 = arith.muli %arg1, %mul3A_24 : i32
    %mul3A_26 = arith.constant 640 : i32
    %mul3A_27 = arith.muli %arg1, %mul3A_26 : i32
    "tpu.region"() ({
      %run_scoped3A_75 = tpu.sem_alloc : memref<!tpu.dma_semaphore, #tpu.memory_space<semaphore_mem>>
      %dma_start3A_76 = arith.constant 0 : i32
      %dma_start3A_77 = tpu.memref_slice %arg8[%arg0, %mul3A_27, %dma_start3A_76] : memref<2x10240x128xf32, #tpu.memory_space<hbm>> -> memref<1x640x128xf32, #tpu.memory_space<hbm>>
      %dma_start3A_78 = tpu.memref_squeeze %dma_start3A_77 : memref<1x640x128xf32, #tpu.memory_space<hbm>> -> memref<640x128xf32, #tpu.memory_space<hbm>>
      %dma_start3A_79 = arith.constant 0 : i32
      %dma_start3A_80 = tpu.memref_slice %arg10[%mul3A_25, %dma_start3A_79] : memref<10240x128xf32, #tpu.memory_space<vmem_shared>> -> memref<640x128xf32, #tpu.memory_space<vmem_shared>>
      tpu.enqueue_dma source(%dma_start3A_80 : memref<640x128xf32, #tpu.memory_space<vmem_shared>>) target(%dma_start3A_78 : memref<640x128xf32, #tpu.memory_space<hbm>>) target_semaphore(%run_scoped3A_75 : memref<!tpu.dma_semaphore, #tpu.memory_space<semaphore_mem>>)
      %dma_wait3A_81 = arith.constant 0 : i32
      %dma_wait3A_82 = tpu.memref_slice %arg8[%arg0, %mul3A_27, %dma_wait3A_81] : memref<2x10240x128xf32, #tpu.memory_space<hbm>> -> memref<1x640x128xf32, #tpu.memory_space<hbm>>
      %dma_wait3A_83 = tpu.memref_squeeze %dma_wait3A_82 : memref<1x640x128xf32, #tpu.memory_space<hbm>> -> memref<640x128xf32, #tpu.memory_space<hbm>>
      %dma_wait3A_84 = arith.constant 0 : i32
      %dma_wait3A_85 = tpu.memref_slice %arg10[%mul3A_25, %dma_wait3A_84] : memref<10240x128xf32, #tpu.memory_space<vmem_shared>> -> memref<640x128xf32, #tpu.memory_space<vmem_shared>>
      tpu.wait_dma2 semaphore(%run_scoped3A_75 : memref<!tpu.dma_semaphore, #tpu.memory_space<semaphore_mem>>) src(%dma_wait3A_85 : memref<640x128xf32, #tpu.memory_space<vmem_shared>>) dst(%dma_wait3A_83 : memref<640x128xf32, #tpu.memory_space<hbm>>)
      tpu.yield
    }) : () -> ()
    %barrier3A_28 = arith.constant 0 : index
    tpu.barrier barrier_id(%barrier3A_28)
    %mul3A_29 = arith.constant 640 : i32
    %mul3A_30 = arith.muli %arg1, %mul3A_29 : i32
    "tpu.region"() ({
      %run_scoped3A_75 = tpu.sem_alloc : memref<!tpu.dma_semaphore, #tpu.memory_space<semaphore_mem>>
      %dma_start3A_76 = arith.constant 0 : i32
      %dma_start3A_77 = tpu.memref_slice %arg10[%mul3A_30, %dma_start3A_76] : memref<10240x128xf32, #tpu.memory_space<vmem_shared>> -> memref<640x128xf32, #tpu.memory_space<vmem_shared>>
      tpu.enqueue_dma source(%arg6 : memref<640x128xf32, #tpu.memory_space<hbm>>) target(%dma_start3A_77 : memref<640x128xf32, #tpu.memory_space<vmem_shared>>) target_semaphore(%run_scoped3A_75 : memref<!tpu.dma_semaphore, #tpu.memory_space<semaphore_mem>>)
      %dma_wait3A_78 = arith.constant 0 : i32
      %dma_wait3A_79 = tpu.memref_slice %arg10[%mul3A_30, %dma_wait3A_78] : memref<10240x128xf32, #tpu.memory_space<vmem_shared>> -> memref<640x128xf32, #tpu.memory_space<vmem_shared>>
      tpu.wait_dma2 semaphore(%run_scoped3A_75 : memref<!tpu.dma_semaphore, #tpu.memory_space<semaphore_mem>>) src(%arg6 : memref<640x128xf32, #tpu.memory_space<hbm>>) dst(%dma_wait3A_79 : memref<640x128xf32, #tpu.memory_space<vmem_shared>>)
      tpu.yield
    }) : () -> ()
    %barrier3A_31 = arith.constant 0 : index
    tpu.barrier barrier_id(%barrier3A_31)
    %dma_start3A_32 = arith.constant 0 : i32
    %dma_start3A_33 = arith.constant 0 : i32
    %dma_start3A_34 = arith.constant 0 : i32
    %dma_start3A_35 = tpu.memref_slice %arg5[%arg0, %arg1, %dma_start3A_32, %dma_start3A_33, %dma_start3A_34] : memref<2x16x64x1x80xi32, #tpu.memory_space<hbm>> -> memref<1x1x1x1x80xi32, #tpu.memory_space<hbm>>
    %dma_start3A_36 = tpu.memref_squeeze %dma_start3A_35 : memref<1x1x1x1x80xi32, #tpu.memory_space<hbm>> -> memref<80xi32, #tpu.memory_space<hbm>>
    %dma_start3A_37 = arith.constant 0 : i32
    %dma_start3A_38 = tpu.memref_slice %arg5[%arg0, %arg1, %dma_start3A_32, %dma_start3A_33, %dma_start3A_37] : memref<2x16x64x1x80xi32, #tpu.memory_space<hbm>> -> memref<1x1x1x1x80xi32, #tpu.memory_space<hbm>>
    %dma_start3A_39 = tpu.memref_squeeze %dma_start3A_38 : memref<1x1x1x1x80xi32, #tpu.memory_space<hbm>> -> memref<80xi32, #tpu.memory_space<hbm>>
    tpu.enqueue_dma source(%dma_start3A_39 : memref<80xi32, #tpu.memory_space<hbm>>) target(%arg12 : memref<80xi32, #tpu.memory_space<vmem>>) target_semaphore(%arg18 : memref<!tpu.dma_semaphore, #tpu.memory_space<semaphore_mem>>)
    %dma_start3A_40 = arith.constant 1 : i32
    %dma_start3A_41 = arith.constant 0 : i32
    %dma_start3A_42 = arith.constant 0 : i32
    %dma_start3A_43 = tpu.memref_slice %arg5[%arg0, %arg1, %dma_start3A_40, %dma_start3A_41, %dma_start3A_42] : memref<2x16x64x1x80xi32, #tpu.memory_space<hbm>> -> memref<1x1x1x1x80xi32, #tpu.memory_space<hbm>>
    %dma_start3A_44 = tpu.memref_squeeze %dma_start3A_43 : memref<1x1x1x1x80xi32, #tpu.memory_space<hbm>> -> memref<80xi32, #tpu.memory_space<hbm>>
    %dma_start3A_45 = arith.constant 0 : i32
    %dma_start3A_46 = tpu.memref_slice %arg5[%arg0, %arg1, %dma_start3A_40, %dma_start3A_41, %dma_start3A_45] : memref<2x16x64x1x80xi32, #tpu.memory_space<hbm>> -> memref<1x1x1x1x80xi32, #tpu.memory_space<hbm>>
    %dma_start3A_47 = tpu.memref_squeeze %dma_start3A_46 : memref<1x1x1x1x80xi32, #tpu.memory_space<hbm>> -> memref<80xi32, #tpu.memory_space<hbm>>
    tpu.enqueue_dma source(%dma_start3A_47 : memref<80xi32, #tpu.memory_space<hbm>>) target(%arg14 : memref<80xi32, #tpu.memory_space<vmem>>) target_semaphore(%arg19 : memref<!tpu.dma_semaphore, #tpu.memory_space<semaphore_mem>>)
    %scan3A_48 = arith.constant 0 : i32
    %scan3A_49 = arith.constant 0 : i32
    %scan3A_50 = arith.constant 32 : i32
    %scan3A_51 = arith.addi %scan3A_49, %scan3A_50 : i32
    %scan3A_52 = arith.constant 1 : i32
    scf.for %scan3A_75 = %scan3A_49 to %scan3A_51 step %scan3A_52  : i32 {
      %mul3A_76 = arith.constant 2 : i32
      %mul3A_77 = arith.muli %mul3A_76, %scan3A_75 : i32
      %dma_wait3A_78 = arith.constant 0 : i32
      %dma_wait3A_79 = arith.constant 0 : i32
      %dma_wait3A_80 = arith.constant 0 : i32
      %dma_wait3A_81 = tpu.memref_slice %arg5[%arg0, %arg1, %dma_wait3A_78, %dma_wait3A_79, %dma_wait3A_80] : memref<2x16x64x1x80xi32, #tpu.memory_space<hbm>> -> memref<1x1x1x1x80xi32, #tpu.memory_space<hbm>>
      %dma_wait3A_82 = tpu.memref_squeeze %dma_wait3A_81 : memref<1x1x1x1x80xi32, #tpu.memory_space<hbm>> -> memref<80xi32, #tpu.memory_space<hbm>>
      %dma_wait3A_83 = arith.constant 0 : i32
      %dma_wait3A_84 = tpu.memref_slice %arg5[%arg0, %arg1, %dma_wait3A_78, %dma_wait3A_79, %dma_wait3A_83] : memref<2x16x64x1x80xi32, #tpu.memory_space<hbm>> -> memref<1x1x1x1x80xi32, #tpu.memory_space<hbm>>
      %dma_wait3A_85 = tpu.memref_squeeze %dma_wait3A_84 : memref<1x1x1x1x80xi32, #tpu.memory_space<hbm>> -> memref<80xi32, #tpu.memory_space<hbm>>
      tpu.wait_dma2 semaphore(%arg18 : memref<!tpu.dma_semaphore, #tpu.memory_space<semaphore_mem>>) src(%dma_wait3A_85 : memref<80xi32, #tpu.memory_space<hbm>>) dst(%arg12 : memref<80xi32, #tpu.memory_space<vmem>>)
      "tpu.region"() ({
        %run_scoped3A_114 = tpu.sem_alloc : memref<!tpu.dma_semaphore, #tpu.memory_space<semaphore_mem>>
        %dma_start3A_115 = arith.constant 0 : i32
        %dma_start3A_116 = arith.constant 0 : i32
        %dma_start3A_117 = tpu.memref_slice %arg10[%dma_start3A_115, %dma_start3A_116] : memref<10240x128xf32, #tpu.memory_space<vmem_shared>> -> memref<10240x128xf32, #tpu.memory_space<vmem_shared>>
        tpu.enqueue_indirect_dma source(%arg17 : memref<80x128xf32, #tpu.memory_space<vmem>>) target(%dma_start3A_117 : memref<10240x128xf32, #tpu.memory_space<vmem_shared>>) offsets(%arg12 : memref<80xi32, #tpu.memory_space<vmem>>) semaphore(%run_scoped3A_114 : memref<!tpu.dma_semaphore, #tpu.memory_space<semaphore_mem>>) {add = true}
        %dma_wait3A_118 = arith.constant 0 : i32
        %dma_wait3A_119 = arith.constant 0 : i32
        %dma_wait3A_120 = tpu.memref_slice %arg10[%dma_wait3A_118, %dma_wait3A_119] : memref<10240x128xf32, #tpu.memory_space<vmem_shared>> -> memref<10240x128xf32, #tpu.memory_space<vmem_shared>>
        tpu.wait_indirect_dma semaphore(%run_scoped3A_114 : memref<!tpu.dma_semaphore, #tpu.memory_space<semaphore_mem>>) src(%arg17 : memref<80x128xf32, #tpu.memory_space<vmem>>) dst(%dma_wait3A_120 : memref<10240x128xf32, #tpu.memory_space<vmem_shared>>)
        tpu.yield
      }) : () -> ()
      %add3A = arith.constant 2 : i32
      %add3A_86 = arith.addi %mul3A_77, %add3A : i32
      %min3A = arith.constant 63 : i32
      %min3A_87 = arith.minsi %add3A_86, %min3A : i32
      %dma_start3A_88 = arith.constant 0 : i32
      %dma_start3A_89 = arith.constant 0 : i32
      %dma_start3A_90 = tpu.memref_slice %arg5[%arg0, %arg1, %min3A_87, %dma_start3A_88, %dma_start3A_89] : memref<2x16x64x1x80xi32, #tpu.memory_space<hbm>> -> memref<1x1x1x1x80xi32, #tpu.memory_space<hbm>>
      %dma_start3A_91 = tpu.memref_squeeze %dma_start3A_90 : memref<1x1x1x1x80xi32, #tpu.memory_space<hbm>> -> memref<80xi32, #tpu.memory_space<hbm>>
      %dma_start3A_92 = arith.constant 0 : i32
      %dma_start3A_93 = tpu.memref_slice %arg5[%arg0, %arg1, %min3A_87, %dma_start3A_88, %dma_start3A_92] : memref<2x16x64x1x80xi32, #tpu.memory_space<hbm>> -> memref<1x1x1x1x80xi32, #tpu.memory_space<hbm>>
      %dma_start3A_94 = tpu.memref_squeeze %dma_start3A_93 : memref<1x1x1x1x80xi32, #tpu.memory_space<hbm>> -> memref<80xi32, #tpu.memory_space<hbm>>
      tpu.enqueue_dma source(%dma_start3A_94 : memref<80xi32, #tpu.memory_space<hbm>>) target(%arg12 : memref<80xi32, #tpu.memory_space<vmem>>) target_semaphore(%arg18 : memref<!tpu.dma_semaphore, #tpu.memory_space<semaphore_mem>>)
      %dma_wait3A_95 = arith.constant 0 : i32
      %dma_wait3A_96 = arith.constant 0 : i32
      %dma_wait3A_97 = arith.constant 0 : i32
      %dma_wait3A_98 = tpu.memref_slice %arg5[%arg0, %arg1, %dma_wait3A_95, %dma_wait3A_96, %dma_wait3A_97] : memref<2x16x64x1x80xi32, #tpu.memory_space<hbm>> -> memref<1x1x1x1x80xi32, #tpu.memory_space<hbm>>
      %dma_wait3A_99 = tpu.memref_squeeze %dma_wait3A_98 : memref<1x1x1x1x80xi32, #tpu.memory_space<hbm>> -> memref<80xi32, #tpu.memory_space<hbm>>
      %dma_wait3A_100 = arith.constant 0 : i32
      %dma_wait3A_101 = tpu.memref_slice %arg5[%arg0, %arg1, %dma_wait3A_95, %dma_wait3A_96, %dma_wait3A_100] : memref<2x16x64x1x80xi32, #tpu.memory_space<hbm>> -> memref<1x1x1x1x80xi32, #tpu.memory_space<hbm>>
      %dma_wait3A_102 = tpu.memref_squeeze %dma_wait3A_101 : memref<1x1x1x1x80xi32, #tpu.memory_space<hbm>> -> memref<80xi32, #tpu.memory_space<hbm>>
      tpu.wait_dma2 semaphore(%arg19 : memref<!tpu.dma_semaphore, #tpu.memory_space<semaphore_mem>>) src(%dma_wait3A_102 : memref<80xi32, #tpu.memory_space<hbm>>) dst(%arg14 : memref<80xi32, #tpu.memory_space<vmem>>)
      "tpu.region"() ({
        %run_scoped3A_114 = tpu.sem_alloc : memref<!tpu.dma_semaphore, #tpu.memory_space<semaphore_mem>>
        %dma_start3A_115 = arith.constant 0 : i32
        %dma_start3A_116 = arith.constant 0 : i32
        %dma_start3A_117 = tpu.memref_slice %arg10[%dma_start3A_115, %dma_start3A_116] : memref<10240x128xf32, #tpu.memory_space<vmem_shared>> -> memref<10240x128xf32, #tpu.memory_space<vmem_shared>>
        tpu.enqueue_indirect_dma source(%arg17 : memref<80x128xf32, #tpu.memory_space<vmem>>) target(%dma_start3A_117 : memref<10240x128xf32, #tpu.memory_space<vmem_shared>>) offsets(%arg14 : memref<80xi32, #tpu.memory_space<vmem>>) semaphore(%run_scoped3A_114 : memref<!tpu.dma_semaphore, #tpu.memory_space<semaphore_mem>>) {add = true}
        %dma_wait3A_118 = arith.constant 0 : i32
        %dma_wait3A_119 = arith.constant 0 : i32
        %dma_wait3A_120 = tpu.memref_slice %arg10[%dma_wait3A_118, %dma_wait3A_119] : memref<10240x128xf32, #tpu.memory_space<vmem_shared>> -> memref<10240x128xf32, #tpu.memory_space<vmem_shared>>
        tpu.wait_indirect_dma semaphore(%run_scoped3A_114 : memref<!tpu.dma_semaphore, #tpu.memory_space<semaphore_mem>>) src(%arg17 : memref<80x128xf32, #tpu.memory_space<vmem>>) dst(%dma_wait3A_120 : memref<10240x128xf32, #tpu.memory_space<vmem_shared>>)
        tpu.yield
      }) : () -> ()
      %add3A_103 = arith.constant 3 : i32
      %add3A_104 = arith.addi %mul3A_77, %add3A_103 : i32
      %min3A_105 = arith.constant 63 : i32
      %min3A_106 = arith.minsi %add3A_104, %min3A_105 : i32
      %dma_start3A_107 = arith.constant 0 : i32
      %dma_start3A_108 = arith.constant 0 : i32
      %dma_start3A_109 = tpu.memref_slice %arg5[%arg0, %arg1, %min3A_106, %dma_start3A_107, %dma_start3A_108] : memref<2x16x64x1x80xi32, #tpu.memory_space<hbm>> -> memref<1x1x1x1x80xi32, #tpu.memory_space<hbm>>
      %dma_start3A_110 = tpu.memref_squeeze %dma_start3A_109 : memref<1x1x1x1x80xi32, #tpu.memory_space<hbm>> -> memref<80xi32, #tpu.memory_space<hbm>>
      %dma_start3A_111 = arith.constant 0 : i32
      %dma_start3A_112 = tpu.memref_slice %arg5[%arg0, %arg1, %min3A_106, %dma_start3A_107, %dma_start3A_111] : memref<2x16x64x1x80xi32, #tpu.memory_space<hbm>> -> memref<1x1x1x1x80xi32, #tpu.memory_space<hbm>>
      %dma_start3A_113 = tpu.memref_squeeze %dma_start3A_112 : memref<1x1x1x1x80xi32, #tpu.memory_space<hbm>> -> memref<80xi32, #tpu.memory_space<hbm>>
      tpu.enqueue_dma source(%dma_start3A_113 : memref<80xi32, #tpu.memory_space<hbm>>) target(%arg14 : memref<80xi32, #tpu.memory_space<vmem>>) target_semaphore(%arg19 : memref<!tpu.dma_semaphore, #tpu.memory_space<semaphore_mem>>)
    }
    %scan3A_53 = arith.constant 32 : i32
    %dma_wait3A_54 = arith.constant 0 : i32
    %dma_wait3A_55 = arith.constant 0 : i32
    %dma_wait3A_56 = arith.constant 0 : i32
    %dma_wait3A_57 = tpu.memref_slice %arg5[%arg0, %arg1, %dma_wait3A_54, %dma_wait3A_55, %dma_wait3A_56] : memref<2x16x64x1x80xi32, #tpu.memory_space<hbm>> -> memref<1x1x1x1x80xi32, #tpu.memory_space<hbm>>
    %dma_wait3A_58 = tpu.memref_squeeze %dma_wait3A_57 : memref<1x1x1x1x80xi32, #tpu.memory_space<hbm>> -> memref<80xi32, #tpu.memory_space<hbm>>
    %dma_wait3A_59 = arith.constant 0 : i32
    %dma_wait3A_60 = tpu.memref_slice %arg5[%arg0, %arg1, %dma_wait3A_54, %dma_wait3A_55, %dma_wait3A_59] : memref<2x16x64x1x80xi32, #tpu.memory_space<hbm>> -> memref<1x1x1x1x80xi32, #tpu.memory_space<hbm>>
    %dma_wait3A_61 = tpu.memref_squeeze %dma_wait3A_60 : memref<1x1x1x1x80xi32, #tpu.memory_space<hbm>> -> memref<80xi32, #tpu.memory_space<hbm>>
    tpu.wait_dma2 semaphore(%arg18 : memref<!tpu.dma_semaphore, #tpu.memory_space<semaphore_mem>>) src(%dma_wait3A_61 : memref<80xi32, #tpu.memory_space<hbm>>) dst(%arg12 : memref<80xi32, #tpu.memory_space<vmem>>)
    %dma_wait3A_62 = arith.constant 0 : i32
    %dma_wait3A_63 = arith.constant 0 : i32
    %dma_wait3A_64 = arith.constant 0 : i32
    %dma_wait3A_65 = tpu.memref_slice %arg5[%arg0, %arg1, %dma_wait3A_62, %dma_wait3A_63, %dma_wait3A_64] : memref<2x16x64x1x80xi32, #tpu.memory_space<hbm>> -> memref<1x1x1x1x80xi32, #tpu.memory_space<hbm>>
    %dma_wait3A_66 = tpu.memref_squeeze %dma_wait3A_65 : memref<1x1x1x1x80xi32, #tpu.memory_space<hbm>> -> memref<80xi32, #tpu.memory_space<hbm>>
    %dma_wait3A_67 = arith.constant 0 : i32
    %dma_wait3A_68 = tpu.memref_slice %arg5[%arg0, %arg1, %dma_wait3A_62, %dma_wait3A_63, %dma_wait3A_67] : memref<2x16x64x1x80xi32, #tpu.memory_space<hbm>> -> memref<1x1x1x1x80xi32, #tpu.memory_space<hbm>>
    %dma_wait3A_69 = tpu.memref_squeeze %dma_wait3A_68 : memref<1x1x1x1x80xi32, #tpu.memory_space<hbm>> -> memref<80xi32, #tpu.memory_space<hbm>>
    tpu.wait_dma2 semaphore(%arg19 : memref<!tpu.dma_semaphore, #tpu.memory_space<semaphore_mem>>) src(%dma_wait3A_69 : memref<80xi32, #tpu.memory_space<hbm>>) dst(%arg14 : memref<80xi32, #tpu.memory_space<vmem>>)
    %barrier3A_70 = arith.constant 0 : index
    tpu.barrier barrier_id(%barrier3A_70)
    %mul3A_71 = arith.constant 640 : i32
    %mul3A_72 = arith.muli %arg1, %mul3A_71 : i32
    %mul3A_73 = arith.constant 640 : i32
    %mul3A_74 = arith.muli %arg1, %mul3A_73 : i32
    "tpu.region"() ({
      %run_scoped3A_75 = tpu.sem_alloc : memref<!tpu.dma_semaphore, #tpu.memory_space<semaphore_mem>>
      %dma_start3A_76 = arith.constant 0 : i32
      %dma_start3A_77 = tpu.memref_slice %arg9[%arg0, %mul3A_74, %dma_start3A_76] : memref<2x10240x128xf32, #tpu.memory_space<hbm>> -> memref<1x640x128xf32, #tpu.memory_space<hbm>>
      %dma_start3A_78 = tpu.memref_squeeze %dma_start3A_77 : memref<1x640x128xf32, #tpu.memory_space<hbm>> -> memref<640x128xf32, #tpu.memory_space<hbm>>
      %dma_start3A_79 = arith.constant 0 : i32
      %dma_start3A_80 = tpu.memref_slice %arg10[%mul3A_72, %dma_start3A_79] : memref<10240x128xf32, #tpu.memory_space<vmem_shared>> -> memref<640x128xf32, #tpu.memory_space<vmem_shared>>
      tpu.enqueue_dma source(%dma_start3A_80 : memref<640x128xf32, #tpu.memory_space<vmem_shared>>) target(%dma_start3A_78 : memref<640x128xf32, #tpu.memory_space<hbm>>) target_semaphore(%run_scoped3A_75 : memref<!tpu.dma_semaphore, #tpu.memory_space<semaphore_mem>>)
      %dma_wait3A_81 = arith.constant 0 : i32
      %dma_wait3A_82 = tpu.memref_slice %arg9[%arg0, %mul3A_74, %dma_wait3A_81] : memref<2x10240x128xf32, #tpu.memory_space<hbm>> -> memref<1x640x128xf32, #tpu.memory_space<hbm>>
      %dma_wait3A_83 = tpu.memref_squeeze %dma_wait3A_82 : memref<1x640x128xf32, #tpu.memory_space<hbm>> -> memref<640x128xf32, #tpu.memory_space<hbm>>
      %dma_wait3A_84 = arith.constant 0 : i32
      %dma_wait3A_85 = tpu.memref_slice %arg10[%mul3A_72, %dma_wait3A_84] : memref<10240x128xf32, #tpu.memory_space<vmem_shared>> -> memref<640x128xf32, #tpu.memory_space<vmem_shared>>
      tpu.wait_dma2 semaphore(%run_scoped3A_75 : memref<!tpu.dma_semaphore, #tpu.memory_space<semaphore_mem>>) src(%dma_wait3A_85 : memref<640x128xf32, #tpu.memory_space<vmem_shared>>) dst(%dma_wait3A_83 : memref<640x128xf32, #tpu.memory_space<hbm>>)
      tpu.yield
    }) : () -> ()
    return
  }
}

#map = affine_map<(d0, d1) -> (0, 0)>
#map1 = affine_map<(d0, d1) -> (0, 0, 0, 0, 0)>
#map2 = affine_map<(d0, d1) -> (0, 0, 0, 0)>
#map3 = affine_map<(d0, d1) -> (0, 0, 0)>
module attributes {stable_mosaic.version = 14 : i64} {
  func.func @_sc_dir_body(%arg0: i32, %arg1: i32, %arg2: memref<20000x128xf32, #tpu.memory_space<hbm>>, %arg3: memref<2x16x125x1x80xi32, #tpu.memory_space<hbm>>, %arg4: memref<16x125x1x80xi32, #tpu.memory_space<hbm>>, %arg5: memref<2x16x64x1x80xi32, #tpu.memory_space<hbm>>, %arg6: memref<640x128xf32, #tpu.memory_space<hbm>>, %arg7: memref<80x128xf32, #tpu.memory_space<hbm>>, %arg8: memref<2x10240x128xf32, #tpu.memory_space<hbm>>, %arg9: memref<2x10240x128xf32, #tpu.memory_space<hbm>>, %arg10: memref<10240x128xf32, #tpu.memory_space<vmem_shared>>, %arg11: memref<80xi32, #tpu.memory_space<vmem>>, %arg12: memref<80xi32, #tpu.memory_space<vmem>>, %arg13: memref<80xi32, #tpu.memory_space<vmem>>, %arg14: memref<80xi32, #tpu.memory_space<vmem>>, %arg15: memref<80x128xf32, #tpu.memory_space<vmem>>, %arg16: memref<80x128xf32, #tpu.memory_space<vmem>>, %arg17: memref<80x128xf32, #tpu.memory_space<vmem>>, %arg18: memref<!tpu.dma_semaphore, #tpu.memory_space<semaphore_mem>>, %arg19: memref<!tpu.dma_semaphore, #tpu.memory_space<semaphore_mem>>) attributes {dimension_semantics = [#tpu.dimension_semantics<core_parallel>, #tpu.dimension_semantics<subcore_parallel>], iteration_bounds = array<i64: 2, 16>, scalar_prefetch = 0 : i64, scratch_operands = 10 : i64, tpu.core_type = #tpu.core_type<sc_vector_subcore>, window_params = [{transform_indices = #map}, {transform_indices = #map1}, {transform_indices = #map2}, {transform_indices = #map1}, {transform_indices = #map}, {transform_indices = #map}, {transform_indices = #map3}, {transform_indices = #map3}]} {
    "tpu.region"() ({
      %run_scoped3A_75 = tpu.sem_alloc : memref<!tpu.dma_semaphore, #tpu.memory_space<semaphore_mem>>
      tpu.enqueue_dma source(%arg7 : memref<80x128xf32, #tpu.memory_space<hbm>>) target(%arg17 : memref<80x128xf32, #tpu.memory_space<vmem>>) target_semaphore(%run_scoped3A_75 : memref<!tpu.dma_semaphore, #tpu.memory_space<semaphore_mem>>)
      tpu.wait_dma2 semaphore(%run_scoped3A_75 : memref<!tpu.dma_semaphore, #tpu.memory_space<semaphore_mem>>) src(%arg7 : memref<80x128xf32, #tpu.memory_space<hbm>>) dst(%arg17 : memref<80x128xf32, #tpu.memory_space<vmem>>)
      tpu.yield
    }) : () -> ()
    %mul3A = arith.constant 640 : i32
    %mul3A_0 = arith.muli %arg1, %mul3A : i32
    "tpu.region"() ({
      %run_scoped3A_75 = tpu.sem_alloc : memref<!tpu.dma_semaphore, #tpu.memory_space<semaphore_mem>>
      %dma_start3A_76 = arith.constant 0 : i32
      %dma_start3A_77 = tpu.memref_slice %arg10[%mul3A_0, %dma_start3A_76] : memref<10240x128xf32, #tpu.memory_space<vmem_shared>> -> memref<640x128xf32, #tpu.memory_space<vmem_shared>>
      tpu.enqueue_dma source(%arg6 : memref<640x128xf32, #tpu.memory_space<hbm>>) target(%dma_start3A_77 : memref<640x128xf32, #tpu.memory_space<vmem_shared>>) target_semaphore(%run_scoped3A_75 : memref<!tpu.dma_semaphore, #tpu.memory_space<semaphore_mem>>)
      %dma_wait3A_78 = arith.constant 0 : i32
      %dma_wait3A_79 = tpu.memref_slice %arg10[%mul3A_0, %dma_wait3A_78] : memref<10240x128xf32, #tpu.memory_space<vmem_shared>> -> memref<640x128xf32, #tpu.memory_space<vmem_shared>>
      tpu.wait_dma2 semaphore(%run_scoped3A_75 : memref<!tpu.dma_semaphore, #tpu.memory_space<semaphore_mem>>) src(%arg6 : memref<640x128xf32, #tpu.memory_space<hbm>>) dst(%dma_wait3A_79 : memref<640x128xf32, #tpu.memory_space<vmem_shared>>)
      tpu.yield
    }) : () -> ()
    %barrier3A = arith.constant 0 : index
    tpu.barrier barrier_id(%barrier3A)
    %run_scoped3A = arith.constant 0 : i32
    %run_scoped3A_1 = arith.constant 0 : i32
    "tpu.region"() ({
      %run_scoped3A_75 = tpu.sem_alloc : memref<!tpu.dma_semaphore, #tpu.memory_space<semaphore_mem>>
      %dma_start3A_76 = arith.constant 0 : i32
      %dma_start3A_77 = tpu.memref_slice %arg3[%arg0, %arg1, %run_scoped3A, %run_scoped3A_1, %dma_start3A_76] : memref<2x16x125x1x80xi32, #tpu.memory_space<hbm>> -> memref<1x1x1x1x80xi32, #tpu.memory_space<hbm>>
      %dma_start3A_78 = tpu.memref_squeeze %dma_start3A_77 : memref<1x1x1x1x80xi32, #tpu.memory_space<hbm>> -> memref<80xi32, #tpu.memory_space<hbm>>
      %dma_start3A_79 = arith.constant 0 : i32
      %dma_start3A_80 = tpu.memref_slice %arg3[%arg0, %arg1, %run_scoped3A, %run_scoped3A_1, %dma_start3A_79] : memref<2x16x125x1x80xi32, #tpu.memory_space<hbm>> -> memref<1x1x1x1x80xi32, #tpu.memory_space<hbm>>
      %dma_start3A_81 = tpu.memref_squeeze %dma_start3A_80 : memref<1x1x1x1x80xi32, #tpu.memory_space<hbm>> -> memref<80xi32, #tpu.memory_space<hbm>>
      tpu.enqueue_dma source(%dma_start3A_81 : memref<80xi32, #tpu.memory_space<hbm>>) target(%arg11 : memref<80xi32, #tpu.memory_space<vmem>>) target_semaphore(%run_scoped3A_75 : memref<!tpu.dma_semaphore, #tpu.memory_space<semaphore_mem>>)
      %dma_wait3A_82 = arith.constant 0 : i32
      %dma_wait3A_83 = tpu.memref_slice %arg3[%arg0, %arg1, %run_scoped3A, %run_scoped3A_1, %dma_wait3A_82] : memref<2x16x125x1x80xi32, #tpu.memory_space<hbm>> -> memref<1x1x1x1x80xi32, #tpu.memory_space<hbm>>
      %dma_wait3A_84 = tpu.memref_squeeze %dma_wait3A_83 : memref<1x1x1x1x80xi32, #tpu.memory_space<hbm>> -> memref<80xi32, #tpu.memory_space<hbm>>
      %dma_wait3A_85 = arith.constant 0 : i32
      %dma_wait3A_86 = tpu.memref_slice %arg3[%arg0, %arg1, %run_scoped3A, %run_scoped3A_1, %dma_wait3A_85] : memref<2x16x125x1x80xi32, #tpu.memory_space<hbm>> -> memref<1x1x1x1x80xi32, #tpu.memory_space<hbm>>
      %dma_wait3A_87 = tpu.memref_squeeze %dma_wait3A_86 : memref<1x1x1x1x80xi32, #tpu.memory_space<hbm>> -> memref<80xi32, #tpu.memory_space<hbm>>
      tpu.wait_dma2 semaphore(%run_scoped3A_75 : memref<!tpu.dma_semaphore, #tpu.memory_space<semaphore_mem>>) src(%dma_wait3A_87 : memref<80xi32, #tpu.memory_space<hbm>>) dst(%arg11 : memref<80xi32, #tpu.memory_space<vmem>>)
      tpu.yield
    }) : () -> ()
    %run_scoped3A_2 = arith.constant 0 : i32
    %run_scoped3A_3 = arith.constant 0 : i32
    "tpu.region"() ({
      %run_scoped3A_75 = tpu.sem_alloc : memref<!tpu.dma_semaphore, #tpu.memory_space<semaphore_mem>>
      %dma_start3A_76 = arith.constant 0 : i32
      %dma_start3A_77 = tpu.memref_slice %arg4[%arg1, %run_scoped3A_2, %run_scoped3A_3, %dma_start3A_76] : memref<16x125x1x80xi32, #tpu.memory_space<hbm>> -> memref<1x1x1x80xi32, #tpu.memory_space<hbm>>
      %dma_start3A_78 = tpu.memref_squeeze %dma_start3A_77 : memref<1x1x1x80xi32, #tpu.memory_space<hbm>> -> memref<80xi32, #tpu.memory_space<hbm>>
      %dma_start3A_79 = arith.constant 0 : i32
      %dma_start3A_80 = tpu.memref_slice %arg4[%arg1, %run_scoped3A_2, %run_scoped3A_3, %dma_start3A_79] : memref<16x125x1x80xi32, #tpu.memory_space<hbm>> -> memref<1x1x1x80xi32, #tpu.memory_space<hbm>>
      %dma_start3A_81 = tpu.memref_squeeze %dma_start3A_80 : memref<1x1x1x80xi32, #tpu.memory_space<hbm>> -> memref<80xi32, #tpu.memory_space<hbm>>
      tpu.enqueue_dma source(%dma_start3A_81 : memref<80xi32, #tpu.memory_space<hbm>>) target(%arg12 : memref<80xi32, #tpu.memory_space<vmem>>) target_semaphore(%run_scoped3A_75 : memref<!tpu.dma_semaphore, #tpu.memory_space<semaphore_mem>>)
      %dma_wait3A_82 = arith.constant 0 : i32
      %dma_wait3A_83 = tpu.memref_slice %arg4[%arg1, %run_scoped3A_2, %run_scoped3A_3, %dma_wait3A_82] : memref<16x125x1x80xi32, #tpu.memory_space<hbm>> -> memref<1x1x1x80xi32, #tpu.memory_space<hbm>>
      %dma_wait3A_84 = tpu.memref_squeeze %dma_wait3A_83 : memref<1x1x1x80xi32, #tpu.memory_space<hbm>> -> memref<80xi32, #tpu.memory_space<hbm>>
      %dma_wait3A_85 = arith.constant 0 : i32
      %dma_wait3A_86 = tpu.memref_slice %arg4[%arg1, %run_scoped3A_2, %run_scoped3A_3, %dma_wait3A_85] : memref<16x125x1x80xi32, #tpu.memory_space<hbm>> -> memref<1x1x1x80xi32, #tpu.memory_space<hbm>>
      %dma_wait3A_87 = tpu.memref_squeeze %dma_wait3A_86 : memref<1x1x1x80xi32, #tpu.memory_space<hbm>> -> memref<80xi32, #tpu.memory_space<hbm>>
      tpu.wait_dma2 semaphore(%run_scoped3A_75 : memref<!tpu.dma_semaphore, #tpu.memory_space<semaphore_mem>>) src(%dma_wait3A_87 : memref<80xi32, #tpu.memory_space<hbm>>) dst(%arg12 : memref<80xi32, #tpu.memory_space<vmem>>)
      tpu.yield
    }) : () -> ()
    %dma_start3A = arith.constant 0 : i32
    %dma_start3A_4 = arith.constant 0 : i32
    %dma_start3A_5 = tpu.memref_slice %arg2[%dma_start3A, %dma_start3A_4] : memref<20000x128xf32, #tpu.memory_space<hbm>> -> memref<20000x128xf32, #tpu.memory_space<hbm>>
    tpu.enqueue_indirect_dma source(%dma_start3A_5 : memref<20000x128xf32, #tpu.memory_space<hbm>>) target(%arg15 : memref<80x128xf32, #tpu.memory_space<vmem>>) offsets(%arg11 : memref<80xi32, #tpu.memory_space<vmem>>) semaphore(%arg18 : memref<!tpu.dma_semaphore, #tpu.memory_space<semaphore_mem>>)
    %run_scoped3A_6 = arith.constant 1 : i32
    %run_scoped3A_7 = arith.constant 0 : i32
    "tpu.region"() ({
      %run_scoped3A_75 = tpu.sem_alloc : memref<!tpu.dma_semaphore, #tpu.memory_space<semaphore_mem>>
      %dma_start3A_76 = arith.constant 0 : i32
      %dma_start3A_77 = tpu.memref_slice %arg3[%arg0, %arg1, %run_scoped3A_6, %run_scoped3A_7, %dma_start3A_76] : memref<2x16x125x1x80xi32, #tpu.memory_space<hbm>> -> memref<1x1x1x1x80xi32, #tpu.memory_space<hbm>>
      %dma_start3A_78 = tpu.memref_squeeze %dma_start3A_77 : memref<1x1x1x1x80xi32, #tpu.memory_space<hbm>> -> memref<80xi32, #tpu.memory_space<hbm>>
      %dma_start3A_79 = arith.constant 0 : i32
      %dma_start3A_80 = tpu.memref_slice %arg3[%arg0, %arg1, %run_scoped3A_6, %run_scoped3A_7, %dma_start3A_79] : memref<2x16x125x1x80xi32, #tpu.memory_space<hbm>> -> memref<1x1x1x1x80xi32, #tpu.memory_space<hbm>>
      %dma_start3A_81 = tpu.memref_squeeze %dma_start3A_80 : memref<1x1x1x1x80xi32, #tpu.memory_space<hbm>> -> memref<80xi32, #tpu.memory_space<hbm>>
      tpu.enqueue_dma source(%dma_start3A_81 : memref<80xi32, #tpu.memory_space<hbm>>) target(%arg13 : memref<80xi32, #tpu.memory_space<vmem>>) target_semaphore(%run_scoped3A_75 : memref<!tpu.dma_semaphore, #tpu.memory_space<semaphore_mem>>)
      %dma_wait3A_82 = arith.constant 0 : i32
      %dma_wait3A_83 = tpu.memref_slice %arg3[%arg0, %arg1, %run_scoped3A_6, %run_scoped3A_7, %dma_wait3A_82] : memref<2x16x125x1x80xi32, #tpu.memory_space<hbm>> -> memref<1x1x1x1x80xi32, #tpu.memory_space<hbm>>
      %dma_wait3A_84 = tpu.memref_squeeze %dma_wait3A_83 : memref<1x1x1x1x80xi32, #tpu.memory_space<hbm>> -> memref<80xi32, #tpu.memory_space<hbm>>
      %dma_wait3A_85 = arith.constant 0 : i32
      %dma_wait3A_86 = tpu.memref_slice %arg3[%arg0, %arg1, %run_scoped3A_6, %run_scoped3A_7, %dma_wait3A_85] : memref<2x16x125x1x80xi32, #tpu.memory_space<hbm>> -> memref<1x1x1x1x80xi32, #tpu.memory_space<hbm>>
      %dma_wait3A_87 = tpu.memref_squeeze %dma_wait3A_86 : memref<1x1x1x1x80xi32, #tpu.memory_space<hbm>> -> memref<80xi32, #tpu.memory_space<hbm>>
      tpu.wait_dma2 semaphore(%run_scoped3A_75 : memref<!tpu.dma_semaphore, #tpu.memory_space<semaphore_mem>>) src(%dma_wait3A_87 : memref<80xi32, #tpu.memory_space<hbm>>) dst(%arg13 : memref<80xi32, #tpu.memory_space<vmem>>)
      tpu.yield
    }) : () -> ()
    %run_scoped3A_8 = arith.constant 1 : i32
    %run_scoped3A_9 = arith.constant 0 : i32
    "tpu.region"() ({
      %run_scoped3A_75 = tpu.sem_alloc : memref<!tpu.dma_semaphore, #tpu.memory_space<semaphore_mem>>
      %dma_start3A_76 = arith.constant 0 : i32
      %dma_start3A_77 = tpu.memref_slice %arg4[%arg1, %run_scoped3A_8, %run_scoped3A_9, %dma_start3A_76] : memref<16x125x1x80xi32, #tpu.memory_space<hbm>> -> memref<1x1x1x80xi32, #tpu.memory_space<hbm>>
      %dma_start3A_78 = tpu.memref_squeeze %dma_start3A_77 : memref<1x1x1x80xi32, #tpu.memory_space<hbm>> -> memref<80xi32, #tpu.memory_space<hbm>>
      %dma_start3A_79 = arith.constant 0 : i32
      %dma_start3A_80 = tpu.memref_slice %arg4[%arg1, %run_scoped3A_8, %run_scoped3A_9, %dma_start3A_79] : memref<16x125x1x80xi32, #tpu.memory_space<hbm>> -> memref<1x1x1x80xi32, #tpu.memory_space<hbm>>
      %dma_start3A_81 = tpu.memref_squeeze %dma_start3A_80 : memref<1x1x1x80xi32, #tpu.memory_space<hbm>> -> memref<80xi32, #tpu.memory_space<hbm>>
      tpu.enqueue_dma source(%dma_start3A_81 : memref<80xi32, #tpu.memory_space<hbm>>) target(%arg14 : memref<80xi32, #tpu.memory_space<vmem>>) target_semaphore(%run_scoped3A_75 : memref<!tpu.dma_semaphore, #tpu.memory_space<semaphore_mem>>)
      %dma_wait3A_82 = arith.constant 0 : i32
      %dma_wait3A_83 = tpu.memref_slice %arg4[%arg1, %run_scoped3A_8, %run_scoped3A_9, %dma_wait3A_82] : memref<16x125x1x80xi32, #tpu.memory_space<hbm>> -> memref<1x1x1x80xi32, #tpu.memory_space<hbm>>
      %dma_wait3A_84 = tpu.memref_squeeze %dma_wait3A_83 : memref<1x1x1x80xi32, #tpu.memory_space<hbm>> -> memref<80xi32, #tpu.memory_space<hbm>>
      %dma_wait3A_85 = arith.constant 0 : i32
      %dma_wait3A_86 = tpu.memref_slice %arg4[%arg1, %run_scoped3A_8, %run_scoped3A_9, %dma_wait3A_85] : memref<16x125x1x80xi32, #tpu.memory_space<hbm>> -> memref<1x1x1x80xi32, #tpu.memory_space<hbm>>
      %dma_wait3A_87 = tpu.memref_squeeze %dma_wait3A_86 : memref<1x1x1x80xi32, #tpu.memory_space<hbm>> -> memref<80xi32, #tpu.memory_space<hbm>>
      tpu.wait_dma2 semaphore(%run_scoped3A_75 : memref<!tpu.dma_semaphore, #tpu.memory_space<semaphore_mem>>) src(%dma_wait3A_87 : memref<80xi32, #tpu.memory_space<hbm>>) dst(%arg14 : memref<80xi32, #tpu.memory_space<vmem>>)
      tpu.yield
    }) : () -> ()
    %dma_start3A_10 = arith.constant 0 : i32
    %dma_start3A_11 = arith.constant 0 : i32
    %dma_start3A_12 = tpu.memref_slice %arg2[%dma_start3A_10, %dma_start3A_11] : memref<20000x128xf32, #tpu.memory_space<hbm>> -> memref<20000x128xf32, #tpu.memory_space<hbm>>
    tpu.enqueue_indirect_dma source(%dma_start3A_12 : memref<20000x128xf32, #tpu.memory_space<hbm>>) target(%arg16 : memref<80x128xf32, #tpu.memory_space<vmem>>) offsets(%arg13 : memref<80xi32, #tpu.memory_space<vmem>>) semaphore(%arg19 : memref<!tpu.dma_semaphore, #tpu.memory_space<semaphore_mem>>)
    %scan3A = arith.constant 0 : i32
    %scan3A_13 = arith.constant 0 : i32
    %scan3A_14 = arith.constant 62 : i32
    %scan3A_15 = arith.addi %scan3A_13, %scan3A_14 : i32
    %scan3A_16 = arith.constant 1 : i32
    scf.for %scan3A_75 = %scan3A_13 to %scan3A_15 step %scan3A_16  : i32 {
      %mul3A_76 = arith.constant 2 : i32
      %mul3A_77 = arith.muli %mul3A_76, %scan3A_75 : i32
      %dma_wait3A_78 = arith.constant 0 : i32
      %dma_wait3A_79 = arith.constant 0 : i32
      %dma_wait3A_80 = tpu.memref_slice %arg2[%dma_wait3A_78, %dma_wait3A_79] : memref<20000x128xf32, #tpu.memory_space<hbm>> -> memref<20000x128xf32, #tpu.memory_space<hbm>>
      tpu.wait_indirect_dma semaphore(%arg18 : memref<!tpu.dma_semaphore, #tpu.memory_space<semaphore_mem>>) src(%dma_wait3A_80 : memref<20000x128xf32, #tpu.memory_space<hbm>>) dst(%arg15 : memref<80x128xf32, #tpu.memory_space<vmem>>)
      "tpu.region"() ({
        %run_scoped3A_100 = tpu.sem_alloc : memref<!tpu.dma_semaphore, #tpu.memory_space<semaphore_mem>>
        %dma_start3A_101 = arith.constant 0 : i32
        %dma_start3A_102 = arith.constant 0 : i32
        %dma_start3A_103 = tpu.memref_slice %arg10[%dma_start3A_101, %dma_start3A_102] : memref<10240x128xf32, #tpu.memory_space<vmem_shared>> -> memref<10240x128xf32, #tpu.memory_space<vmem_shared>>
        tpu.enqueue_indirect_dma source(%arg15 : memref<80x128xf32, #tpu.memory_space<vmem>>) target(%dma_start3A_103 : memref<10240x128xf32, #tpu.memory_space<vmem_shared>>) offsets(%arg12 : memref<80xi32, #tpu.memory_space<vmem>>) semaphore(%run_scoped3A_100 : memref<!tpu.dma_semaphore, #tpu.memory_space<semaphore_mem>>) {add = true}
        %dma_wait3A_104 = arith.constant 0 : i32
        %dma_wait3A_105 = arith.constant 0 : i32
        %dma_wait3A_106 = tpu.memref_slice %arg10[%dma_wait3A_104, %dma_wait3A_105] : memref<10240x128xf32, #tpu.memory_space<vmem_shared>> -> memref<10240x128xf32, #tpu.memory_space<vmem_shared>>
        tpu.wait_indirect_dma semaphore(%run_scoped3A_100 : memref<!tpu.dma_semaphore, #tpu.memory_space<semaphore_mem>>) src(%arg15 : memref<80x128xf32, #tpu.memory_space<vmem>>) dst(%dma_wait3A_106 : memref<10240x128xf32, #tpu.memory_space<vmem_shared>>)
        tpu.yield
      }) : () -> ()
      %add3A = arith.constant 2 : i32
      %add3A_81 = arith.addi %mul3A_77, %add3A : i32
      %min3A = arith.constant 124 : i32
      %min3A_82 = arith.minsi %add3A_81, %min3A : i32
      %run_scoped3A_83 = arith.constant 0 : i32
      "tpu.region"() ({
        %run_scoped3A_100 = tpu.sem_alloc : memref<!tpu.dma_semaphore, #tpu.memory_space<semaphore_mem>>
        %dma_start3A_101 = arith.constant 0 : i32
        %dma_start3A_102 = tpu.memref_slice %arg3[%arg0, %arg1, %min3A_82, %run_scoped3A_83, %dma_start3A_101] : memref<2x16x125x1x80xi32, #tpu.memory_space<hbm>> -> memref<1x1x1x1x80xi32, #tpu.memory_space<hbm>>
        %dma_start3A_103 = tpu.memref_squeeze %dma_start3A_102 : memref<1x1x1x1x80xi32, #tpu.memory_space<hbm>> -> memref<80xi32, #tpu.memory_space<hbm>>
        %dma_start3A_104 = arith.constant 0 : i32
        %dma_start3A_105 = tpu.memref_slice %arg3[%arg0, %arg1, %min3A_82, %run_scoped3A_83, %dma_start3A_104] : memref<2x16x125x1x80xi32, #tpu.memory_space<hbm>> -> memref<1x1x1x1x80xi32, #tpu.memory_space<hbm>>
        %dma_start3A_106 = tpu.memref_squeeze %dma_start3A_105 : memref<1x1x1x1x80xi32, #tpu.memory_space<hbm>> -> memref<80xi32, #tpu.memory_space<hbm>>
        tpu.enqueue_dma source(%dma_start3A_106 : memref<80xi32, #tpu.memory_space<hbm>>) target(%arg11 : memref<80xi32, #tpu.memory_space<vmem>>) target_semaphore(%run_scoped3A_100 : memref<!tpu.dma_semaphore, #tpu.memory_space<semaphore_mem>>)
        %dma_wait3A_107 = arith.constant 0 : i32
        %dma_wait3A_108 = tpu.memref_slice %arg3[%arg0, %arg1, %min3A_82, %run_scoped3A_83, %dma_wait3A_107] : memref<2x16x125x1x80xi32, #tpu.memory_space<hbm>> -> memref<1x1x1x1x80xi32, #tpu.memory_space<hbm>>
        %dma_wait3A_109 = tpu.memref_squeeze %dma_wait3A_108 : memref<1x1x1x1x80xi32, #tpu.memory_space<hbm>> -> memref<80xi32, #tpu.memory_space<hbm>>
        %dma_wait3A_110 = arith.constant 0 : i32
        %dma_wait3A_111 = tpu.memref_slice %arg3[%arg0, %arg1, %min3A_82, %run_scoped3A_83, %dma_wait3A_110] : memref<2x16x125x1x80xi32, #tpu.memory_space<hbm>> -> memref<1x1x1x1x80xi32, #tpu.memory_space<hbm>>
        %dma_wait3A_112 = tpu.memref_squeeze %dma_wait3A_111 : memref<1x1x1x1x80xi32, #tpu.memory_space<hbm>> -> memref<80xi32, #tpu.memory_space<hbm>>
        tpu.wait_dma2 semaphore(%run_scoped3A_100 : memref<!tpu.dma_semaphore, #tpu.memory_space<semaphore_mem>>) src(%dma_wait3A_112 : memref<80xi32, #tpu.memory_space<hbm>>) dst(%arg11 : memref<80xi32, #tpu.memory_space<vmem>>)
        tpu.yield
      }) : () -> ()
      %run_scoped3A_84 = arith.constant 0 : i32
      "tpu.region"() ({
        %run_scoped3A_100 = tpu.sem_alloc : memref<!tpu.dma_semaphore, #tpu.memory_space<semaphore_mem>>
        %dma_start3A_101 = arith.constant 0 : i32
        %dma_start3A_102 = tpu.memref_slice %arg4[%arg1, %min3A_82, %run_scoped3A_84, %dma_start3A_101] : memref<16x125x1x80xi32, #tpu.memory_space<hbm>> -> memref<1x1x1x80xi32, #tpu.memory_space<hbm>>
        %dma_start3A_103 = tpu.memref_squeeze %dma_start3A_102 : memref<1x1x1x80xi32, #tpu.memory_space<hbm>> -> memref<80xi32, #tpu.memory_space<hbm>>
        %dma_start3A_104 = arith.constant 0 : i32
        %dma_start3A_105 = tpu.memref_slice %arg4[%arg1, %min3A_82, %run_scoped3A_84, %dma_start3A_104] : memref<16x125x1x80xi32, #tpu.memory_space<hbm>> -> memref<1x1x1x80xi32, #tpu.memory_space<hbm>>
        %dma_start3A_106 = tpu.memref_squeeze %dma_start3A_105 : memref<1x1x1x80xi32, #tpu.memory_space<hbm>> -> memref<80xi32, #tpu.memory_space<hbm>>
        tpu.enqueue_dma source(%dma_start3A_106 : memref<80xi32, #tpu.memory_space<hbm>>) target(%arg12 : memref<80xi32, #tpu.memory_space<vmem>>) target_semaphore(%run_scoped3A_100 : memref<!tpu.dma_semaphore, #tpu.memory_space<semaphore_mem>>)
        %dma_wait3A_107 = arith.constant 0 : i32
        %dma_wait3A_108 = tpu.memref_slice %arg4[%arg1, %min3A_82, %run_scoped3A_84, %dma_wait3A_107] : memref<16x125x1x80xi32, #tpu.memory_space<hbm>> -> memref<1x1x1x80xi32, #tpu.memory_space<hbm>>
        %dma_wait3A_109 = tpu.memref_squeeze %dma_wait3A_108 : memref<1x1x1x80xi32, #tpu.memory_space<hbm>> -> memref<80xi32, #tpu.memory_space<hbm>>
        %dma_wait3A_110 = arith.constant 0 : i32
        %dma_wait3A_111 = tpu.memref_slice %arg4[%arg1, %min3A_82, %run_scoped3A_84, %dma_wait3A_110] : memref<16x125x1x80xi32, #tpu.memory_space<hbm>> -> memref<1x1x1x80xi32, #tpu.memory_space<hbm>>
        %dma_wait3A_112 = tpu.memref_squeeze %dma_wait3A_111 : memref<1x1x1x80xi32, #tpu.memory_space<hbm>> -> memref<80xi32, #tpu.memory_space<hbm>>
        tpu.wait_dma2 semaphore(%run_scoped3A_100 : memref<!tpu.dma_semaphore, #tpu.memory_space<semaphore_mem>>) src(%dma_wait3A_112 : memref<80xi32, #tpu.memory_space<hbm>>) dst(%arg12 : memref<80xi32, #tpu.memory_space<vmem>>)
        tpu.yield
      }) : () -> ()
      %dma_start3A_85 = arith.constant 0 : i32
      %dma_start3A_86 = arith.constant 0 : i32
      %dma_start3A_87 = tpu.memref_slice %arg2[%dma_start3A_85, %dma_start3A_86] : memref<20000x128xf32, #tpu.memory_space<hbm>> -> memref<20000x128xf32, #tpu.memory_space<hbm>>
      tpu.enqueue_indirect_dma source(%dma_start3A_87 : memref<20000x128xf32, #tpu.memory_space<hbm>>) target(%arg15 : memref<80x128xf32, #tpu.memory_space<vmem>>) offsets(%arg11 : memref<80xi32, #tpu.memory_space<vmem>>) semaphore(%arg18 : memref<!tpu.dma_semaphore, #tpu.memory_space<semaphore_mem>>)
      %dma_wait3A_88 = arith.constant 0 : i32
      %dma_wait3A_89 = arith.constant 0 : i32
      %dma_wait3A_90 = tpu.memref_slice %arg2[%dma_wait3A_88, %dma_wait3A_89] : memref<20000x128xf32, #tpu.memory_space<hbm>> -> memref<20000x128xf32, #tpu.memory_space<hbm>>
      tpu.wait_indirect_dma semaphore(%arg19 : memref<!tpu.dma_semaphore, #tpu.memory_space<semaphore_mem>>) src(%dma_wait3A_90 : memref<20000x128xf32, #tpu.memory_space<hbm>>) dst(%arg16 : memref<80x128xf32, #tpu.memory_space<vmem>>)
      "tpu.region"() ({
        %run_scoped3A_100 = tpu.sem_alloc : memref<!tpu.dma_semaphore, #tpu.memory_space<semaphore_mem>>
        %dma_start3A_101 = arith.constant 0 : i32
        %dma_start3A_102 = arith.constant 0 : i32
        %dma_start3A_103 = tpu.memref_slice %arg10[%dma_start3A_101, %dma_start3A_102] : memref<10240x128xf32, #tpu.memory_space<vmem_shared>> -> memref<10240x128xf32, #tpu.memory_space<vmem_shared>>
        tpu.enqueue_indirect_dma source(%arg16 : memref<80x128xf32, #tpu.memory_space<vmem>>) target(%dma_start3A_103 : memref<10240x128xf32, #tpu.memory_space<vmem_shared>>) offsets(%arg14 : memref<80xi32, #tpu.memory_space<vmem>>) semaphore(%run_scoped3A_100 : memref<!tpu.dma_semaphore, #tpu.memory_space<semaphore_mem>>) {add = true}
        %dma_wait3A_104 = arith.constant 0 : i32
        %dma_wait3A_105 = arith.constant 0 : i32
        %dma_wait3A_106 = tpu.memref_slice %arg10[%dma_wait3A_104, %dma_wait3A_105] : memref<10240x128xf32, #tpu.memory_space<vmem_shared>> -> memref<10240x128xf32, #tpu.memory_space<vmem_shared>>
        tpu.wait_indirect_dma semaphore(%run_scoped3A_100 : memref<!tpu.dma_semaphore, #tpu.memory_space<semaphore_mem>>) src(%arg16 : memref<80x128xf32, #tpu.memory_space<vmem>>) dst(%dma_wait3A_106 : memref<10240x128xf32, #tpu.memory_space<vmem_shared>>)
        tpu.yield
      }) : () -> ()
      %add3A_91 = arith.constant 3 : i32
      %add3A_92 = arith.addi %mul3A_77, %add3A_91 : i32
      %min3A_93 = arith.constant 124 : i32
      %min3A_94 = arith.minsi %add3A_92, %min3A_93 : i32
      %run_scoped3A_95 = arith.constant 0 : i32
      "tpu.region"() ({
        %run_scoped3A_100 = tpu.sem_alloc : memref<!tpu.dma_semaphore, #tpu.memory_space<semaphore_mem>>
        %dma_start3A_101 = arith.constant 0 : i32
        %dma_start3A_102 = tpu.memref_slice %arg3[%arg0, %arg1, %min3A_94, %run_scoped3A_95, %dma_start3A_101] : memref<2x16x125x1x80xi32, #tpu.memory_space<hbm>> -> memref<1x1x1x1x80xi32, #tpu.memory_space<hbm>>
        %dma_start3A_103 = tpu.memref_squeeze %dma_start3A_102 : memref<1x1x1x1x80xi32, #tpu.memory_space<hbm>> -> memref<80xi32, #tpu.memory_space<hbm>>
        %dma_start3A_104 = arith.constant 0 : i32
        %dma_start3A_105 = tpu.memref_slice %arg3[%arg0, %arg1, %min3A_94, %run_scoped3A_95, %dma_start3A_104] : memref<2x16x125x1x80xi32, #tpu.memory_space<hbm>> -> memref<1x1x1x1x80xi32, #tpu.memory_space<hbm>>
        %dma_start3A_106 = tpu.memref_squeeze %dma_start3A_105 : memref<1x1x1x1x80xi32, #tpu.memory_space<hbm>> -> memref<80xi32, #tpu.memory_space<hbm>>
        tpu.enqueue_dma source(%dma_start3A_106 : memref<80xi32, #tpu.memory_space<hbm>>) target(%arg13 : memref<80xi32, #tpu.memory_space<vmem>>) target_semaphore(%run_scoped3A_100 : memref<!tpu.dma_semaphore, #tpu.memory_space<semaphore_mem>>)
        %dma_wait3A_107 = arith.constant 0 : i32
        %dma_wait3A_108 = tpu.memref_slice %arg3[%arg0, %arg1, %min3A_94, %run_scoped3A_95, %dma_wait3A_107] : memref<2x16x125x1x80xi32, #tpu.memory_space<hbm>> -> memref<1x1x1x1x80xi32, #tpu.memory_space<hbm>>
        %dma_wait3A_109 = tpu.memref_squeeze %dma_wait3A_108 : memref<1x1x1x1x80xi32, #tpu.memory_space<hbm>> -> memref<80xi32, #tpu.memory_space<hbm>>
        %dma_wait3A_110 = arith.constant 0 : i32
        %dma_wait3A_111 = tpu.memref_slice %arg3[%arg0, %arg1, %min3A_94, %run_scoped3A_95, %dma_wait3A_110] : memref<2x16x125x1x80xi32, #tpu.memory_space<hbm>> -> memref<1x1x1x1x80xi32, #tpu.memory_space<hbm>>
        %dma_wait3A_112 = tpu.memref_squeeze %dma_wait3A_111 : memref<1x1x1x1x80xi32, #tpu.memory_space<hbm>> -> memref<80xi32, #tpu.memory_space<hbm>>
        tpu.wait_dma2 semaphore(%run_scoped3A_100 : memref<!tpu.dma_semaphore, #tpu.memory_space<semaphore_mem>>) src(%dma_wait3A_112 : memref<80xi32, #tpu.memory_space<hbm>>) dst(%arg13 : memref<80xi32, #tpu.memory_space<vmem>>)
        tpu.yield
      }) : () -> ()
      %run_scoped3A_96 = arith.constant 0 : i32
      "tpu.region"() ({
        %run_scoped3A_100 = tpu.sem_alloc : memref<!tpu.dma_semaphore, #tpu.memory_space<semaphore_mem>>
        %dma_start3A_101 = arith.constant 0 : i32
        %dma_start3A_102 = tpu.memref_slice %arg4[%arg1, %min3A_94, %run_scoped3A_96, %dma_start3A_101] : memref<16x125x1x80xi32, #tpu.memory_space<hbm>> -> memref<1x1x1x80xi32, #tpu.memory_space<hbm>>
        %dma_start3A_103 = tpu.memref_squeeze %dma_start3A_102 : memref<1x1x1x80xi32, #tpu.memory_space<hbm>> -> memref<80xi32, #tpu.memory_space<hbm>>
        %dma_start3A_104 = arith.constant 0 : i32
        %dma_start3A_105 = tpu.memref_slice %arg4[%arg1, %min3A_94, %run_scoped3A_96, %dma_start3A_104] : memref<16x125x1x80xi32, #tpu.memory_space<hbm>> -> memref<1x1x1x80xi32, #tpu.memory_space<hbm>>
        %dma_start3A_106 = tpu.memref_squeeze %dma_start3A_105 : memref<1x1x1x80xi32, #tpu.memory_space<hbm>> -> memref<80xi32, #tpu.memory_space<hbm>>
        tpu.enqueue_dma source(%dma_start3A_106 : memref<80xi32, #tpu.memory_space<hbm>>) target(%arg14 : memref<80xi32, #tpu.memory_space<vmem>>) target_semaphore(%run_scoped3A_100 : memref<!tpu.dma_semaphore, #tpu.memory_space<semaphore_mem>>)
        %dma_wait3A_107 = arith.constant 0 : i32
        %dma_wait3A_108 = tpu.memref_slice %arg4[%arg1, %min3A_94, %run_scoped3A_96, %dma_wait3A_107] : memref<16x125x1x80xi32, #tpu.memory_space<hbm>> -> memref<1x1x1x80xi32, #tpu.memory_space<hbm>>
        %dma_wait3A_109 = tpu.memref_squeeze %dma_wait3A_108 : memref<1x1x1x80xi32, #tpu.memory_space<hbm>> -> memref<80xi32, #tpu.memory_space<hbm>>
        %dma_wait3A_110 = arith.constant 0 : i32
        %dma_wait3A_111 = tpu.memref_slice %arg4[%arg1, %min3A_94, %run_scoped3A_96, %dma_wait3A_110] : memref<16x125x1x80xi32, #tpu.memory_space<hbm>> -> memref<1x1x1x80xi32, #tpu.memory_space<hbm>>
        %dma_wait3A_112 = tpu.memref_squeeze %dma_wait3A_111 : memref<1x1x1x80xi32, #tpu.memory_space<hbm>> -> memref<80xi32, #tpu.memory_space<hbm>>
        tpu.wait_dma2 semaphore(%run_scoped3A_100 : memref<!tpu.dma_semaphore, #tpu.memory_space<semaphore_mem>>) src(%dma_wait3A_112 : memref<80xi32, #tpu.memory_space<hbm>>) dst(%arg14 : memref<80xi32, #tpu.memory_space<vmem>>)
        tpu.yield
      }) : () -> ()
      %dma_start3A_97 = arith.constant 0 : i32
      %dma_start3A_98 = arith.constant 0 : i32
      %dma_start3A_99 = tpu.memref_slice %arg2[%dma_start3A_97, %dma_start3A_98] : memref<20000x128xf32, #tpu.memory_space<hbm>> -> memref<20000x128xf32, #tpu.memory_space<hbm>>
      tpu.enqueue_indirect_dma source(%dma_start3A_99 : memref<20000x128xf32, #tpu.memory_space<hbm>>) target(%arg16 : memref<80x128xf32, #tpu.memory_space<vmem>>) offsets(%arg13 : memref<80xi32, #tpu.memory_space<vmem>>) semaphore(%arg19 : memref<!tpu.dma_semaphore, #tpu.memory_space<semaphore_mem>>)
    }
    %scan3A_17 = arith.constant 62 : i32
    %dma_wait3A = arith.constant 0 : i32
    %dma_wait3A_18 = arith.constant 0 : i32
    %dma_wait3A_19 = tpu.memref_slice %arg2[%dma_wait3A, %dma_wait3A_18] : memref<20000x128xf32, #tpu.memory_space<hbm>> -> memref<20000x128xf32, #tpu.memory_space<hbm>>
    tpu.wait_indirect_dma semaphore(%arg18 : memref<!tpu.dma_semaphore, #tpu.memory_space<semaphore_mem>>) src(%dma_wait3A_19 : memref<20000x128xf32, #tpu.memory_space<hbm>>) dst(%arg15 : memref<80x128xf32, #tpu.memory_space<vmem>>)
    "tpu.region"() ({
      %run_scoped3A_75 = tpu.sem_alloc : memref<!tpu.dma_semaphore, #tpu.memory_space<semaphore_mem>>
      %dma_start3A_76 = arith.constant 0 : i32
      %dma_start3A_77 = arith.constant 0 : i32
      %dma_start3A_78 = tpu.memref_slice %arg10[%dma_start3A_76, %dma_start3A_77] : memref<10240x128xf32, #tpu.memory_space<vmem_shared>> -> memref<10240x128xf32, #tpu.memory_space<vmem_shared>>
      tpu.enqueue_indirect_dma source(%arg15 : memref<80x128xf32, #tpu.memory_space<vmem>>) target(%dma_start3A_78 : memref<10240x128xf32, #tpu.memory_space<vmem_shared>>) offsets(%arg12 : memref<80xi32, #tpu.memory_space<vmem>>) semaphore(%run_scoped3A_75 : memref<!tpu.dma_semaphore, #tpu.memory_space<semaphore_mem>>) {add = true}
      %dma_wait3A_79 = arith.constant 0 : i32
      %dma_wait3A_80 = arith.constant 0 : i32
      %dma_wait3A_81 = tpu.memref_slice %arg10[%dma_wait3A_79, %dma_wait3A_80] : memref<10240x128xf32, #tpu.memory_space<vmem_shared>> -> memref<10240x128xf32, #tpu.memory_space<vmem_shared>>
      tpu.wait_indirect_dma semaphore(%run_scoped3A_75 : memref<!tpu.dma_semaphore, #tpu.memory_space<semaphore_mem>>) src(%arg15 : memref<80x128xf32, #tpu.memory_space<vmem>>) dst(%dma_wait3A_81 : memref<10240x128xf32, #tpu.memory_space<vmem_shared>>)
      tpu.yield
    }) : () -> ()
    %dma_wait3A_20 = arith.constant 0 : i32
    %dma_wait3A_21 = arith.constant 0 : i32
    %dma_wait3A_22 = tpu.memref_slice %arg2[%dma_wait3A_20, %dma_wait3A_21] : memref<20000x128xf32, #tpu.memory_space<hbm>> -> memref<20000x128xf32, #tpu.memory_space<hbm>>
    tpu.wait_indirect_dma semaphore(%arg19 : memref<!tpu.dma_semaphore, #tpu.memory_space<semaphore_mem>>) src(%dma_wait3A_22 : memref<20000x128xf32, #tpu.memory_space<hbm>>) dst(%arg16 : memref<80x128xf32, #tpu.memory_space<vmem>>)
    %barrier3A_23 = arith.constant 0 : index
    tpu.barrier barrier_id(%barrier3A_23)
    %mul3A_24 = arith.constant 640 : i32
    %mul3A_25 = arith.muli %arg1, %mul3A_24 : i32
    %mul3A_26 = arith.constant 640 : i32
    %mul3A_27 = arith.muli %arg1, %mul3A_26 : i32
    "tpu.region"() ({
      %run_scoped3A_75 = tpu.sem_alloc : memref<!tpu.dma_semaphore, #tpu.memory_space<semaphore_mem>>
      %dma_start3A_76 = arith.constant 0 : i32
      %dma_start3A_77 = tpu.memref_slice %arg8[%arg0, %mul3A_27, %dma_start3A_76] : memref<2x10240x128xf32, #tpu.memory_space<hbm>> -> memref<1x640x128xf32, #tpu.memory_space<hbm>>
      %dma_start3A_78 = tpu.memref_squeeze %dma_start3A_77 : memref<1x640x128xf32, #tpu.memory_space<hbm>> -> memref<640x128xf32, #tpu.memory_space<hbm>>
      %dma_start3A_79 = arith.constant 0 : i32
      %dma_start3A_80 = tpu.memref_slice %arg10[%mul3A_25, %dma_start3A_79] : memref<10240x128xf32, #tpu.memory_space<vmem_shared>> -> memref<640x128xf32, #tpu.memory_space<vmem_shared>>
      tpu.enqueue_dma source(%dma_start3A_80 : memref<640x128xf32, #tpu.memory_space<vmem_shared>>) target(%dma_start3A_78 : memref<640x128xf32, #tpu.memory_space<hbm>>) target_semaphore(%run_scoped3A_75 : memref<!tpu.dma_semaphore, #tpu.memory_space<semaphore_mem>>)
      %dma_wait3A_81 = arith.constant 0 : i32
      %dma_wait3A_82 = tpu.memref_slice %arg8[%arg0, %mul3A_27, %dma_wait3A_81] : memref<2x10240x128xf32, #tpu.memory_space<hbm>> -> memref<1x640x128xf32, #tpu.memory_space<hbm>>
      %dma_wait3A_83 = tpu.memref_squeeze %dma_wait3A_82 : memref<1x640x128xf32, #tpu.memory_space<hbm>> -> memref<640x128xf32, #tpu.memory_space<hbm>>
      %dma_wait3A_84 = arith.constant 0 : i32
      %dma_wait3A_85 = tpu.memref_slice %arg10[%mul3A_25, %dma_wait3A_84] : memref<10240x128xf32, #tpu.memory_space<vmem_shared>> -> memref<640x128xf32, #tpu.memory_space<vmem_shared>>
      tpu.wait_dma2 semaphore(%run_scoped3A_75 : memref<!tpu.dma_semaphore, #tpu.memory_space<semaphore_mem>>) src(%dma_wait3A_85 : memref<640x128xf32, #tpu.memory_space<vmem_shared>>) dst(%dma_wait3A_83 : memref<640x128xf32, #tpu.memory_space<hbm>>)
      tpu.yield
    }) : () -> ()
    %barrier3A_28 = arith.constant 0 : index
    tpu.barrier barrier_id(%barrier3A_28)
    %mul3A_29 = arith.constant 640 : i32
    %mul3A_30 = arith.muli %arg1, %mul3A_29 : i32
    "tpu.region"() ({
      %run_scoped3A_75 = tpu.sem_alloc : memref<!tpu.dma_semaphore, #tpu.memory_space<semaphore_mem>>
      %dma_start3A_76 = arith.constant 0 : i32
      %dma_start3A_77 = tpu.memref_slice %arg10[%mul3A_30, %dma_start3A_76] : memref<10240x128xf32, #tpu.memory_space<vmem_shared>> -> memref<640x128xf32, #tpu.memory_space<vmem_shared>>
      tpu.enqueue_dma source(%arg6 : memref<640x128xf32, #tpu.memory_space<hbm>>) target(%dma_start3A_77 : memref<640x128xf32, #tpu.memory_space<vmem_shared>>) target_semaphore(%run_scoped3A_75 : memref<!tpu.dma_semaphore, #tpu.memory_space<semaphore_mem>>)
      %dma_wait3A_78 = arith.constant 0 : i32
      %dma_wait3A_79 = tpu.memref_slice %arg10[%mul3A_30, %dma_wait3A_78] : memref<10240x128xf32, #tpu.memory_space<vmem_shared>> -> memref<640x128xf32, #tpu.memory_space<vmem_shared>>
      tpu.wait_dma2 semaphore(%run_scoped3A_75 : memref<!tpu.dma_semaphore, #tpu.memory_space<semaphore_mem>>) src(%arg6 : memref<640x128xf32, #tpu.memory_space<hbm>>) dst(%dma_wait3A_79 : memref<640x128xf32, #tpu.memory_space<vmem_shared>>)
      tpu.yield
    }) : () -> ()
    %barrier3A_31 = arith.constant 0 : index
    tpu.barrier barrier_id(%barrier3A_31)
    %dma_start3A_32 = arith.constant 0 : i32
    %dma_start3A_33 = arith.constant 0 : i32
    %dma_start3A_34 = arith.constant 0 : i32
    %dma_start3A_35 = tpu.memref_slice %arg5[%arg0, %arg1, %dma_start3A_32, %dma_start3A_33, %dma_start3A_34] : memref<2x16x64x1x80xi32, #tpu.memory_space<hbm>> -> memref<1x1x1x1x80xi32, #tpu.memory_space<hbm>>
    %dma_start3A_36 = tpu.memref_squeeze %dma_start3A_35 : memref<1x1x1x1x80xi32, #tpu.memory_space<hbm>> -> memref<80xi32, #tpu.memory_space<hbm>>
    %dma_start3A_37 = arith.constant 0 : i32
    %dma_start3A_38 = tpu.memref_slice %arg5[%arg0, %arg1, %dma_start3A_32, %dma_start3A_33, %dma_start3A_37] : memref<2x16x64x1x80xi32, #tpu.memory_space<hbm>> -> memref<1x1x1x1x80xi32, #tpu.memory_space<hbm>>
    %dma_start3A_39 = tpu.memref_squeeze %dma_start3A_38 : memref<1x1x1x1x80xi32, #tpu.memory_space<hbm>> -> memref<80xi32, #tpu.memory_space<hbm>>
    tpu.enqueue_dma source(%dma_start3A_39 : memref<80xi32, #tpu.memory_space<hbm>>) target(%arg12 : memref<80xi32, #tpu.memory_space<vmem>>) target_semaphore(%arg18 : memref<!tpu.dma_semaphore, #tpu.memory_space<semaphore_mem>>)
    %dma_start3A_40 = arith.constant 1 : i32
    %dma_start3A_41 = arith.constant 0 : i32
    %dma_start3A_42 = arith.constant 0 : i32
    %dma_start3A_43 = tpu.memref_slice %arg5[%arg0, %arg1, %dma_start3A_40, %dma_start3A_41, %dma_start3A_42] : memref<2x16x64x1x80xi32, #tpu.memory_space<hbm>> -> memref<1x1x1x1x80xi32, #tpu.memory_space<hbm>>
    %dma_start3A_44 = tpu.memref_squeeze %dma_start3A_43 : memref<1x1x1x1x80xi32, #tpu.memory_space<hbm>> -> memref<80xi32, #tpu.memory_space<hbm>>
    %dma_start3A_45 = arith.constant 0 : i32
    %dma_start3A_46 = tpu.memref_slice %arg5[%arg0, %arg1, %dma_start3A_40, %dma_start3A_41, %dma_start3A_45] : memref<2x16x64x1x80xi32, #tpu.memory_space<hbm>> -> memref<1x1x1x1x80xi32, #tpu.memory_space<hbm>>
    %dma_start3A_47 = tpu.memref_squeeze %dma_start3A_46 : memref<1x1x1x1x80xi32, #tpu.memory_space<hbm>> -> memref<80xi32, #tpu.memory_space<hbm>>
    tpu.enqueue_dma source(%dma_start3A_47 : memref<80xi32, #tpu.memory_space<hbm>>) target(%arg14 : memref<80xi32, #tpu.memory_space<vmem>>) target_semaphore(%arg19 : memref<!tpu.dma_semaphore, #tpu.memory_space<semaphore_mem>>)
    %scan3A_48 = arith.constant 0 : i32
    %scan3A_49 = arith.constant 0 : i32
    %scan3A_50 = arith.constant 32 : i32
    %scan3A_51 = arith.addi %scan3A_49, %scan3A_50 : i32
    %scan3A_52 = arith.constant 1 : i32
    scf.for %scan3A_75 = %scan3A_49 to %scan3A_51 step %scan3A_52  : i32 {
      %mul3A_76 = arith.constant 2 : i32
      %mul3A_77 = arith.muli %mul3A_76, %scan3A_75 : i32
      %dma_wait3A_78 = arith.constant 0 : i32
      %dma_wait3A_79 = arith.constant 0 : i32
      %dma_wait3A_80 = arith.constant 0 : i32
      %dma_wait3A_81 = tpu.memref_slice %arg5[%arg0, %arg1, %dma_wait3A_78, %dma_wait3A_79, %dma_wait3A_80] : memref<2x16x64x1x80xi32, #tpu.memory_space<hbm>> -> memref<1x1x1x1x80xi32, #tpu.memory_space<hbm>>
      %dma_wait3A_82 = tpu.memref_squeeze %dma_wait3A_81 : memref<1x1x1x1x80xi32, #tpu.memory_space<hbm>> -> memref<80xi32, #tpu.memory_space<hbm>>
      %dma_wait3A_83 = arith.constant 0 : i32
      %dma_wait3A_84 = tpu.memref_slice %arg5[%arg0, %arg1, %dma_wait3A_78, %dma_wait3A_79, %dma_wait3A_83] : memref<2x16x64x1x80xi32, #tpu.memory_space<hbm>> -> memref<1x1x1x1x80xi32, #tpu.memory_space<hbm>>
      %dma_wait3A_85 = tpu.memref_squeeze %dma_wait3A_84 : memref<1x1x1x1x80xi32, #tpu.memory_space<hbm>> -> memref<80xi32, #tpu.memory_space<hbm>>
      tpu.wait_dma2 semaphore(%arg18 : memref<!tpu.dma_semaphore, #tpu.memory_space<semaphore_mem>>) src(%dma_wait3A_85 : memref<80xi32, #tpu.memory_space<hbm>>) dst(%arg12 : memref<80xi32, #tpu.memory_space<vmem>>)
      "tpu.region"() ({
        %run_scoped3A_114 = tpu.sem_alloc : memref<!tpu.dma_semaphore, #tpu.memory_space<semaphore_mem>>
        %dma_start3A_115 = arith.constant 0 : i32
        %dma_start3A_116 = arith.constant 0 : i32
        %dma_start3A_117 = tpu.memref_slice %arg10[%dma_start3A_115, %dma_start3A_116] : memref<10240x128xf32, #tpu.memory_space<vmem_shared>> -> memref<10240x128xf32, #tpu.memory_space<vmem_shared>>
        tpu.enqueue_indirect_dma source(%arg17 : memref<80x128xf32, #tpu.memory_space<vmem>>) target(%dma_start3A_117 : memref<10240x128xf32, #tpu.memory_space<vmem_shared>>) offsets(%arg12 : memref<80xi32, #tpu.memory_space<vmem>>) semaphore(%run_scoped3A_114 : memref<!tpu.dma_semaphore, #tpu.memory_space<semaphore_mem>>) {add = true}
        %dma_wait3A_118 = arith.constant 0 : i32
        %dma_wait3A_119 = arith.constant 0 : i32
        %dma_wait3A_120 = tpu.memref_slice %arg10[%dma_wait3A_118, %dma_wait3A_119] : memref<10240x128xf32, #tpu.memory_space<vmem_shared>> -> memref<10240x128xf32, #tpu.memory_space<vmem_shared>>
        tpu.wait_indirect_dma semaphore(%run_scoped3A_114 : memref<!tpu.dma_semaphore, #tpu.memory_space<semaphore_mem>>) src(%arg17 : memref<80x128xf32, #tpu.memory_space<vmem>>) dst(%dma_wait3A_120 : memref<10240x128xf32, #tpu.memory_space<vmem_shared>>)
        tpu.yield
      }) : () -> ()
      %add3A = arith.constant 2 : i32
      %add3A_86 = arith.addi %mul3A_77, %add3A : i32
      %min3A = arith.constant 63 : i32
      %min3A_87 = arith.minsi %add3A_86, %min3A : i32
      %dma_start3A_88 = arith.constant 0 : i32
      %dma_start3A_89 = arith.constant 0 : i32
      %dma_start3A_90 = tpu.memref_slice %arg5[%arg0, %arg1, %min3A_87, %dma_start3A_88, %dma_start3A_89] : memref<2x16x64x1x80xi32, #tpu.memory_space<hbm>> -> memref<1x1x1x1x80xi32, #tpu.memory_space<hbm>>
      %dma_start3A_91 = tpu.memref_squeeze %dma_start3A_90 : memref<1x1x1x1x80xi32, #tpu.memory_space<hbm>> -> memref<80xi32, #tpu.memory_space<hbm>>
      %dma_start3A_92 = arith.constant 0 : i32
      %dma_start3A_93 = tpu.memref_slice %arg5[%arg0, %arg1, %min3A_87, %dma_start3A_88, %dma_start3A_92] : memref<2x16x64x1x80xi32, #tpu.memory_space<hbm>> -> memref<1x1x1x1x80xi32, #tpu.memory_space<hbm>>
      %dma_start3A_94 = tpu.memref_squeeze %dma_start3A_93 : memref<1x1x1x1x80xi32, #tpu.memory_space<hbm>> -> memref<80xi32, #tpu.memory_space<hbm>>
      tpu.enqueue_dma source(%dma_start3A_94 : memref<80xi32, #tpu.memory_space<hbm>>) target(%arg12 : memref<80xi32, #tpu.memory_space<vmem>>) target_semaphore(%arg18 : memref<!tpu.dma_semaphore, #tpu.memory_space<semaphore_mem>>)
      %dma_wait3A_95 = arith.constant 0 : i32
      %dma_wait3A_96 = arith.constant 0 : i32
      %dma_wait3A_97 = arith.constant 0 : i32
      %dma_wait3A_98 = tpu.memref_slice %arg5[%arg0, %arg1, %dma_wait3A_95, %dma_wait3A_96, %dma_wait3A_97] : memref<2x16x64x1x80xi32, #tpu.memory_space<hbm>> -> memref<1x1x1x1x80xi32, #tpu.memory_space<hbm>>
      %dma_wait3A_99 = tpu.memref_squeeze %dma_wait3A_98 : memref<1x1x1x1x80xi32, #tpu.memory_space<hbm>> -> memref<80xi32, #tpu.memory_space<hbm>>
      %dma_wait3A_100 = arith.constant 0 : i32
      %dma_wait3A_101 = tpu.memref_slice %arg5[%arg0, %arg1, %dma_wait3A_95, %dma_wait3A_96, %dma_wait3A_100] : memref<2x16x64x1x80xi32, #tpu.memory_space<hbm>> -> memref<1x1x1x1x80xi32, #tpu.memory_space<hbm>>
      %dma_wait3A_102 = tpu.memref_squeeze %dma_wait3A_101 : memref<1x1x1x1x80xi32, #tpu.memory_space<hbm>> -> memref<80xi32, #tpu.memory_space<hbm>>
      tpu.wait_dma2 semaphore(%arg19 : memref<!tpu.dma_semaphore, #tpu.memory_space<semaphore_mem>>) src(%dma_wait3A_102 : memref<80xi32, #tpu.memory_space<hbm>>) dst(%arg14 : memref<80xi32, #tpu.memory_space<vmem>>)
      "tpu.region"() ({
        %run_scoped3A_114 = tpu.sem_alloc : memref<!tpu.dma_semaphore, #tpu.memory_space<semaphore_mem>>
        %dma_start3A_115 = arith.constant 0 : i32
        %dma_start3A_116 = arith.constant 0 : i32
        %dma_start3A_117 = tpu.memref_slice %arg10[%dma_start3A_115, %dma_start3A_116] : memref<10240x128xf32, #tpu.memory_space<vmem_shared>> -> memref<10240x128xf32, #tpu.memory_space<vmem_shared>>
        tpu.enqueue_indirect_dma source(%arg17 : memref<80x128xf32, #tpu.memory_space<vmem>>) target(%dma_start3A_117 : memref<10240x128xf32, #tpu.memory_space<vmem_shared>>) offsets(%arg14 : memref<80xi32, #tpu.memory_space<vmem>>) semaphore(%run_scoped3A_114 : memref<!tpu.dma_semaphore, #tpu.memory_space<semaphore_mem>>) {add = true}
        %dma_wait3A_118 = arith.constant 0 : i32
        %dma_wait3A_119 = arith.constant 0 : i32
        %dma_wait3A_120 = tpu.memref_slice %arg10[%dma_wait3A_118, %dma_wait3A_119] : memref<10240x128xf32, #tpu.memory_space<vmem_shared>> -> memref<10240x128xf32, #tpu.memory_space<vmem_shared>>
        tpu.wait_indirect_dma semaphore(%run_scoped3A_114 : memref<!tpu.dma_semaphore, #tpu.memory_space<semaphore_mem>>) src(%arg17 : memref<80x128xf32, #tpu.memory_space<vmem>>) dst(%dma_wait3A_120 : memref<10240x128xf32, #tpu.memory_space<vmem_shared>>)
        tpu.yield
      }) : () -> ()
      %add3A_103 = arith.constant 3 : i32
      %add3A_104 = arith.addi %mul3A_77, %add3A_103 : i32
      %min3A_105 = arith.constant 63 : i32
      %min3A_106 = arith.minsi %add3A_104, %min3A_105 : i32
      %dma_start3A_107 = arith.constant 0 : i32
      %dma_start3A_108 = arith.constant 0 : i32
      %dma_start3A_109 = tpu.memref_slice %arg5[%arg0, %arg1, %min3A_106, %dma_start3A_107, %dma_start3A_108] : memref<2x16x64x1x80xi32, #tpu.memory_space<hbm>> -> memref<1x1x1x1x80xi32, #tpu.memory_space<hbm>>
      %dma_start3A_110 = tpu.memref_squeeze %dma_start3A_109 : memref<1x1x1x1x80xi32, #tpu.memory_space<hbm>> -> memref<80xi32, #tpu.memory_space<hbm>>
      %dma_start3A_111 = arith.constant 0 : i32
      %dma_start3A_112 = tpu.memref_slice %arg5[%arg0, %arg1, %min3A_106, %dma_start3A_107, %dma_start3A_111] : memref<2x16x64x1x80xi32, #tpu.memory_space<hbm>> -> memref<1x1x1x1x80xi32, #tpu.memory_space<hbm>>
      %dma_start3A_113 = tpu.memref_squeeze %dma_start3A_112 : memref<1x1x1x1x80xi32, #tpu.memory_space<hbm>> -> memref<80xi32, #tpu.memory_space<hbm>>
      tpu.enqueue_dma source(%dma_start3A_113 : memref<80xi32, #tpu.memory_space<hbm>>) target(%arg14 : memref<80xi32, #tpu.memory_space<vmem>>) target_semaphore(%arg19 : memref<!tpu.dma_semaphore, #tpu.memory_space<semaphore_mem>>)
    }
    %scan3A_53 = arith.constant 32 : i32
    %dma_wait3A_54 = arith.constant 0 : i32
    %dma_wait3A_55 = arith.constant 0 : i32
    %dma_wait3A_56 = arith.constant 0 : i32
    %dma_wait3A_57 = tpu.memref_slice %arg5[%arg0, %arg1, %dma_wait3A_54, %dma_wait3A_55, %dma_wait3A_56] : memref<2x16x64x1x80xi32, #tpu.memory_space<hbm>> -> memref<1x1x1x1x80xi32, #tpu.memory_space<hbm>>
    %dma_wait3A_58 = tpu.memref_squeeze %dma_wait3A_57 : memref<1x1x1x1x80xi32, #tpu.memory_space<hbm>> -> memref<80xi32, #tpu.memory_space<hbm>>
    %dma_wait3A_59 = arith.constant 0 : i32
    %dma_wait3A_60 = tpu.memref_slice %arg5[%arg0, %arg1, %dma_wait3A_54, %dma_wait3A_55, %dma_wait3A_59] : memref<2x16x64x1x80xi32, #tpu.memory_space<hbm>> -> memref<1x1x1x1x80xi32, #tpu.memory_space<hbm>>
    %dma_wait3A_61 = tpu.memref_squeeze %dma_wait3A_60 : memref<1x1x1x1x80xi32, #tpu.memory_space<hbm>> -> memref<80xi32, #tpu.memory_space<hbm>>
    tpu.wait_dma2 semaphore(%arg18 : memref<!tpu.dma_semaphore, #tpu.memory_space<semaphore_mem>>) src(%dma_wait3A_61 : memref<80xi32, #tpu.memory_space<hbm>>) dst(%arg12 : memref<80xi32, #tpu.memory_space<vmem>>)
    %dma_wait3A_62 = arith.constant 0 : i32
    %dma_wait3A_63 = arith.constant 0 : i32
    %dma_wait3A_64 = arith.constant 0 : i32
    %dma_wait3A_65 = tpu.memref_slice %arg5[%arg0, %arg1, %dma_wait3A_62, %dma_wait3A_63, %dma_wait3A_64] : memref<2x16x64x1x80xi32, #tpu.memory_space<hbm>> -> memref<1x1x1x1x80xi32, #tpu.memory_space<hbm>>
    %dma_wait3A_66 = tpu.memref_squeeze %dma_wait3A_65 : memref<1x1x1x1x80xi32, #tpu.memory_space<hbm>> -> memref<80xi32, #tpu.memory_space<hbm>>
    %dma_wait3A_67 = arith.constant 0 : i32
    %dma_wait3A_68 = tpu.memref_slice %arg5[%arg0, %arg1, %dma_wait3A_62, %dma_wait3A_63, %dma_wait3A_67] : memref<2x16x64x1x80xi32, #tpu.memory_space<hbm>> -> memref<1x1x1x1x80xi32, #tpu.memory_space<hbm>>
    %dma_wait3A_69 = tpu.memref_squeeze %dma_wait3A_68 : memref<1x1x1x1x80xi32, #tpu.memory_space<hbm>> -> memref<80xi32, #tpu.memory_space<hbm>>
    tpu.wait_dma2 semaphore(%arg19 : memref<!tpu.dma_semaphore, #tpu.memory_space<semaphore_mem>>) src(%dma_wait3A_69 : memref<80xi32, #tpu.memory_space<hbm>>) dst(%arg14 : memref<80xi32, #tpu.memory_space<vmem>>)
    %barrier3A_70 = arith.constant 0 : index
    tpu.barrier barrier_id(%barrier3A_70)
    %mul3A_71 = arith.constant 640 : i32
    %mul3A_72 = arith.muli %arg1, %mul3A_71 : i32
    %mul3A_73 = arith.constant 640 : i32
    %mul3A_74 = arith.muli %arg1, %mul3A_73 : i32
    "tpu.region"() ({
      %run_scoped3A_75 = tpu.sem_alloc : memref<!tpu.dma_semaphore, #tpu.memory_space<semaphore_mem>>
      %dma_start3A_76 = arith.constant 0 : i32
      %dma_start3A_77 = tpu.memref_slice %arg9[%arg0, %mul3A_74, %dma_start3A_76] : memref<2x10240x128xf32, #tpu.memory_space<hbm>> -> memref<1x640x128xf32, #tpu.memory_space<hbm>>
      %dma_start3A_78 = tpu.memref_squeeze %dma_start3A_77 : memref<1x640x128xf32, #tpu.memory_space<hbm>> -> memref<640x128xf32, #tpu.memory_space<hbm>>
      %dma_start3A_79 = arith.constant 0 : i32
      %dma_start3A_80 = tpu.memref_slice %arg10[%mul3A_72, %dma_start3A_79] : memref<10240x128xf32, #tpu.memory_space<vmem_shared>> -> memref<640x128xf32, #tpu.memory_space<vmem_shared>>
      tpu.enqueue_dma source(%dma_start3A_80 : memref<640x128xf32, #tpu.memory_space<vmem_shared>>) target(%dma_start3A_78 : memref<640x128xf32, #tpu.memory_space<hbm>>) target_semaphore(%run_scoped3A_75 : memref<!tpu.dma_semaphore, #tpu.memory_space<semaphore_mem>>)
      %dma_wait3A_81 = arith.constant 0 : i32
      %dma_wait3A_82 = tpu.memref_slice %arg9[%arg0, %mul3A_74, %dma_wait3A_81] : memref<2x10240x128xf32, #tpu.memory_space<hbm>> -> memref<1x640x128xf32, #tpu.memory_space<hbm>>
      %dma_wait3A_83 = tpu.memref_squeeze %dma_wait3A_82 : memref<1x640x128xf32, #tpu.memory_space<hbm>> -> memref<640x128xf32, #tpu.memory_space<hbm>>
      %dma_wait3A_84 = arith.constant 0 : i32
      %dma_wait3A_85 = tpu.memref_slice %arg10[%mul3A_72, %dma_wait3A_84] : memref<10240x128xf32, #tpu.memory_space<vmem_shared>> -> memref<640x128xf32, #tpu.memory_space<vmem_shared>>
      tpu.wait_dma2 semaphore(%run_scoped3A_75 : memref<!tpu.dma_semaphore, #tpu.memory_space<semaphore_mem>>) src(%dma_wait3A_85 : memref<640x128xf32, #tpu.memory_space<vmem_shared>>) dst(%dma_wait3A_83 : memref<640x128xf32, #tpu.memory_space<hbm>>)
      tpu.yield
    }) : () -> ()
    return
  }
}

module attributes {stable_mosaic.version = 14 : i64} {
  func.func @_tc_body(%arg0: i32, %arg1: memref<2000x128xf32, #tpu.memory_space<vmem>>, %arg2: memref<2000x128xf32, #tpu.memory_space<vmem>>, %arg3: memref<2000x128xf32, #tpu.memory_space<vmem>>, %arg4: memref<2000x128xf32, #tpu.memory_space<vmem>>, %arg5: memref<2000x16xf32, #tpu.memory_space<vmem>>, %arg6: memref<2000x16xf32, #tpu.memory_space<vmem>>, %arg7: memref<128x256xf32, #tpu.memory_space<vmem>>, %arg8: memref<128x256xf32, #tpu.memory_space<vmem>>, %arg9: memref<128x256xf32, #tpu.memory_space<vmem>>, %arg10: memref<128x256xf32, #tpu.memory_space<vmem>>, %arg11: memref<2000x256xf32, #tpu.memory_space<vmem>>) attributes {dimension_semantics = [#tpu.dimension_semantics<arbitrary>], iteration_bounds = array<i64: 5>, scalar_prefetch = 0 : i64, scratch_operands = 0 : i64, tpu.core_type = #tpu.core_type<tc>, window_params = [{transform_indices = @transform_0, window_bounds = array<i64: 2000, 128>}, {transform_indices = @transform_1, window_bounds = array<i64: 2000, 128>}, {transform_indices = @transform_2, window_bounds = array<i64: 2000, 128>}, {transform_indices = @transform_3, window_bounds = array<i64: 2000, 128>}, {transform_indices = @transform_4, window_bounds = array<i64: 2000, 16>}, {transform_indices = @transform_5, window_bounds = array<i64: 2000, 16>}, {pipeline_mode = #tpu.pipeline_mode<synchronous>, transform_indices = @transform_6, window_bounds = array<i64: 128, 256>}, {pipeline_mode = #tpu.pipeline_mode<synchronous>, transform_indices = @transform_7, window_bounds = array<i64: 128, 256>}, {pipeline_mode = #tpu.pipeline_mode<synchronous>, transform_indices = @transform_8, window_bounds = array<i64: 128, 256>}, {pipeline_mode = #tpu.pipeline_mode<synchronous>, transform_indices = @transform_9, window_bounds = array<i64: 128, 256>}, {transform_indices = @transform_10, window_bounds = array<i64: 2000, 256>}]} {
    %get3A = arith.constant 0 : index
    %get3A_0 = arith.constant 0 : index
    %get3A_1 = vector.load %arg5[%get3A, %get3A_0] : memref<2000x16xf32, #tpu.memory_space<vmem>>, vector<2000x1xf32>
    %max3A = arith.constant 1.000000e+00 : f32
    %max3A_2 = vector.broadcast %max3A : f32 to vector<2000x1xf32>
    %max3A_3 = arith.maximumf %get3A_1, %max3A_2 : vector<2000x1xf32>
    %div3A = arith.constant 1.000000e+00 : f32
    %div3A_4 = vector.broadcast %div3A : f32 to vector<2000x1xf32>
    %div3A_5 = arith.divf %div3A_4, %max3A_3 : vector<2000x1xf32>
    %get3A_6 = arith.constant 0 : index
    %get3A_7 = arith.constant 0 : index
    %get3A_8 = vector.load %arg6[%get3A_6, %get3A_7] : memref<2000x16xf32, #tpu.memory_space<vmem>>, vector<2000x1xf32>
    %max3A_9 = arith.constant 1.000000e+00 : f32
    %max3A_10 = vector.broadcast %max3A_9 : f32 to vector<2000x1xf32>
    %max3A_11 = arith.maximumf %get3A_8, %max3A_10 : vector<2000x1xf32>
    %div3A_12 = arith.constant 1.000000e+00 : f32
    %div3A_13 = vector.broadcast %div3A_12 : f32 to vector<2000x1xf32>
    %div3A_14 = arith.divf %div3A_13, %max3A_11 : vector<2000x1xf32>
    %get3A_15 = arith.constant 0 : index
    %get3A_16 = arith.constant 0 : index
    %get3A_17 = vector.load %arg1[%get3A_15, %get3A_16] : memref<2000x128xf32, #tpu.memory_space<vmem>>, vector<2000x128xf32>
    %mul3A = vector.broadcast %div3A_5 : vector<2000x1xf32> to vector<2000x128xf32>
    %mul3A_18 = arith.mulf %get3A_17, %mul3A : vector<2000x128xf32>
    %get3A_19 = arith.constant 0 : index
    %get3A_20 = arith.constant 0 : index
    %get3A_21 = vector.load %arg7[%get3A_19, %get3A_20] : memref<128x256xf32, #tpu.memory_space<vmem>>, vector<128x256xf32>
    %dot_general3A = arith.constant dense<0.000000e+00> : vector<2000x256xf32>
    %dot_general3A_22 = tpu.matmul %mul3A_18, %get3A_21, %dot_general3A {dimension_numbers = #tpu.dot_dimension_numbers<[1], [0], [0], [1], [0, 0, 1, 1], [], []>, transpose_lhs_hint = false} : vector<2000x128xf32>, vector<128x256xf32>, vector<2000x256xf32> -> vector<2000x256xf32>
    %get3A_23 = arith.constant 0 : index
    %get3A_24 = arith.constant 0 : index
    %get3A_25 = vector.load %arg2[%get3A_23, %get3A_24] : memref<2000x128xf32, #tpu.memory_space<vmem>>, vector<2000x128xf32>
    %mul3A_26 = vector.broadcast %div3A_5 : vector<2000x1xf32> to vector<2000x128xf32>
    %mul3A_27 = arith.mulf %get3A_25, %mul3A_26 : vector<2000x128xf32>
    %get3A_28 = arith.constant 0 : index
    %get3A_29 = arith.constant 0 : index
    %get3A_30 = vector.load %arg8[%get3A_28, %get3A_29] : memref<128x256xf32, #tpu.memory_space<vmem>>, vector<128x256xf32>
    %dot_general3A_31 = arith.constant dense<0.000000e+00> : vector<2000x256xf32>
    %dot_general3A_32 = tpu.matmul %mul3A_27, %get3A_30, %dot_general3A_31 {dimension_numbers = #tpu.dot_dimension_numbers<[1], [0], [0], [1], [0, 0, 1, 1], [], []>, transpose_lhs_hint = false} : vector<2000x128xf32>, vector<128x256xf32>, vector<2000x256xf32> -> vector<2000x256xf32>
    %add3A = arith.addf %dot_general3A_22, %dot_general3A_32 : vector<2000x256xf32>
    %get3A_33 = arith.constant 0 : index
    %get3A_34 = arith.constant 0 : index
    %get3A_35 = vector.load %arg3[%get3A_33, %get3A_34] : memref<2000x128xf32, #tpu.memory_space<vmem>>, vector<2000x128xf32>
    %mul3A_36 = vector.broadcast %div3A_14 : vector<2000x1xf32> to vector<2000x128xf32>
    %mul3A_37 = arith.mulf %get3A_35, %mul3A_36 : vector<2000x128xf32>
    %get3A_38 = arith.constant 0 : index
    %get3A_39 = arith.constant 0 : index
    %get3A_40 = vector.load %arg9[%get3A_38, %get3A_39] : memref<128x256xf32, #tpu.memory_space<vmem>>, vector<128x256xf32>
    %dot_general3A_41 = arith.constant dense<0.000000e+00> : vector<2000x256xf32>
    %dot_general3A_42 = tpu.matmul %mul3A_37, %get3A_40, %dot_general3A_41 {dimension_numbers = #tpu.dot_dimension_numbers<[1], [0], [0], [1], [0, 0, 1, 1], [], []>, transpose_lhs_hint = false} : vector<2000x128xf32>, vector<128x256xf32>, vector<2000x256xf32> -> vector<2000x256xf32>
    %add3A_43 = arith.addf %add3A, %dot_general3A_42 : vector<2000x256xf32>
    %get3A_44 = arith.constant 0 : index
    %get3A_45 = arith.constant 0 : index
    %get3A_46 = vector.load %arg4[%get3A_44, %get3A_45] : memref<2000x128xf32, #tpu.memory_space<vmem>>, vector<2000x128xf32>
    %mul3A_47 = vector.broadcast %div3A_14 : vector<2000x1xf32> to vector<2000x128xf32>
    %mul3A_48 = arith.mulf %get3A_46, %mul3A_47 : vector<2000x128xf32>
    %get3A_49 = arith.constant 0 : index
    %get3A_50 = arith.constant 0 : index
    %get3A_51 = vector.load %arg10[%get3A_49, %get3A_50] : memref<128x256xf32, #tpu.memory_space<vmem>>, vector<128x256xf32>
    %dot_general3A_52 = arith.constant dense<0.000000e+00> : vector<2000x256xf32>
    %dot_general3A_53 = tpu.matmul %mul3A_48, %get3A_51, %dot_general3A_52 {dimension_numbers = #tpu.dot_dimension_numbers<[1], [0], [0], [1], [0, 0, 1, 1], [], []>, transpose_lhs_hint = false} : vector<2000x128xf32>, vector<128x256xf32>, vector<2000x256xf32> -> vector<2000x256xf32>
    %add3A_54 = arith.addf %add3A_43, %dot_general3A_53 : vector<2000x256xf32>
    %swap3A = arith.constant 0 : index
    %swap3A_55 = arith.constant 0 : index
    %swap3A_56 = vector.load %arg11[%swap3A, %swap3A_55] : memref<2000x256xf32, #tpu.memory_space<vmem>>, vector<2000x256xf32>
    tpu.vector_store %arg11[%swap3A, %swap3A_55], %add3A_54 {strides = array<i32>} : memref<2000x256xf32, #tpu.memory_space<vmem>>, vector<2000x256xf32>,
    return
  }
  func.func @transform_0(%arg0: i32) -> (i32, i32) {
    %c0_i32 = arith.constant 0 : i32
    %c0_i32_0 = arith.constant 0 : i32
    return %arg0, %c0_i32 : i32, i32
  }
  func.func @transform_1(%arg0: i32) -> (i32, i32) {
    %c0_i32 = arith.constant 0 : i32
    %c0_i32_0 = arith.constant 0 : i32
    return %arg0, %c0_i32 : i32, i32
  }
  func.func @transform_2(%arg0: i32) -> (i32, i32) {
    %c0_i32 = arith.constant 0 : i32
    %c0_i32_0 = arith.constant 0 : i32
    return %arg0, %c0_i32 : i32, i32
  }
  func.func @transform_3(%arg0: i32) -> (i32, i32) {
    %c0_i32 = arith.constant 0 : i32
    %c0_i32_0 = arith.constant 0 : i32
    return %arg0, %c0_i32 : i32, i32
  }
  func.func @transform_4(%arg0: i32) -> (i32, i32) {
    %c0_i32 = arith.constant 0 : i32
    %c0_i32_0 = arith.constant 0 : i32
    return %arg0, %c0_i32 : i32, i32
  }
  func.func @transform_5(%arg0: i32) -> (i32, i32) {
    %c0_i32 = arith.constant 0 : i32
    %c0_i32_0 = arith.constant 0 : i32
    return %arg0, %c0_i32 : i32, i32
  }
  func.func @transform_6(%arg0: i32) -> (i32, i32) {
    %c0_i32 = arith.constant 0 : i32
    %c0_i32_0 = arith.constant 0 : i32
    %c0_i32_1 = arith.constant 0 : i32
    return %c0_i32, %c0_i32_0 : i32, i32
  }
  func.func @transform_7(%arg0: i32) -> (i32, i32) {
    %c0_i32 = arith.constant 0 : i32
    %c0_i32_0 = arith.constant 0 : i32
    %c0_i32_1 = arith.constant 0 : i32
    return %c0_i32, %c0_i32_0 : i32, i32
  }
  func.func @transform_8(%arg0: i32) -> (i32, i32) {
    %c0_i32 = arith.constant 0 : i32
    %c0_i32_0 = arith.constant 0 : i32
    %c0_i32_1 = arith.constant 0 : i32
    return %c0_i32, %c0_i32_0 : i32, i32
  }
  func.func @transform_9(%arg0: i32) -> (i32, i32) {
    %c0_i32 = arith.constant 0 : i32
    %c0_i32_0 = arith.constant 0 : i32
    %c0_i32_1 = arith.constant 0 : i32
    return %c0_i32, %c0_i32_0 : i32, i32
  }
  func.func @transform_10(%arg0: i32) -> (i32, i32) {
    %c0_i32 = arith.constant 0 : i32
    %c0_i32_0 = arith.constant 0 : i32
    return %arg0, %c0_i32 : i32, i32
  }
}

</mosaic_0001>

<sc_bundles>
// kernel: kernel.5.cloned.1.call-start
scs
__scs_entry_jumppad:
0x0: {  	(pc) =	sbr.rel $0x88, $3  }
0x1: {  	(tag) =	ssettag $0x0;
	lr =	simm.s32 $0x1  }
0x2: {  	[smem:$0x3F9E] =	sst lr;
	_ =	strace $0xD0000000  }
0x3: {  	_ = 	snop  }
0x4: {  	_ = 	snop  }
0x5: {  	_ = 	snop  }
0x6: {  	_ = 	snop  }
0x7: {  	_ = 	snop  }
__scs_overlays_trampoline_lowered:
0x8: {  	[smem:$0x3FAD] =	sst s0  }
0x9: {  	[smem:$0x3FAE] =	sst s1  }
0xa: {  	[smem:$0x3FAF] =	sst s2  }
0xb: {  	[smem:$0x3FB0] =	sst s3  }
0xc: {  	[smem:$0x3FB1] =	sst s4  }
0xd: {  	[smem:$0x3FB2] =	sst s5  }
0xe: {  	[smem:$0x3FB3] =	sst s6  }
0xf: {  	[smem:$0x3FB4] =	sst s7  }
0x10: {  	[smem:$0x3FB5] =	sst s8  }
0x11: {  	[smem:$0x3FB6] =	sst s9;
	s0 =	simm.s32 @!p0 $0x0  }
0x12: {  	s1 =	sld [smem:$0x3F9C];
	s0 =	simm.s32 @p0 $0x1  }
0x13: {  	[smem:$0x3FB7] =	sst s0;
	s0 =	simm.s32 @!p1 $0x0  }
0x14: {  	s2 =	sld [smem:$0x3F9B];
	s0 =	simm.s32 @p1 $0x1  }
0x15: {  	[smem:$0x3FB8] =	sst s0;
	s0 =	simm.s32 @!p2 $0x0  }
0x16: {  	s3 =	sld [smem:$0x3FDB];
	s0 =	simm.s32 @p2 $0x1  }
0x17: {  	s4 =	simm.s32 $0x1BF5;
	[smem:$0x3FBA] =	sst s0  }
0x18: {  	s0 =	sld [smem:$0x3F9D];
	_ =	swait.ge [sflag:s4], $0x0  }
0x19: {  	s7 =	sld [smem:$0x3F9E]  }
0x1a: {  	s8 =	sadd.s32 $0xFFFFE003, lr  }
0x1b: {  	s9 =	sadd.s32 $0xFFFFFEF7, lr;
	s5 =	simm.s32 $0xFFFFFFFF;
	p2 =	slt.u32 s8, $0xFFFFF086  }
0x1c: {  	p1 =	slt.u32 s9, $0xF7A;
	s5 =	simm.s32 @!p2 $0x0  }
0x1d: {  	s5 =	simm.s32 @p1 $0x1;
	p0 =	seq.s32 s7, s2  }
0x1e: {  	s7 =	smul.u32 @!p0 $0xF7A, s2;
	p2 =	seq.s32 @!p0 s5, $0x0  }
0x1f: {  	s9 =	smul.u32 $0xF7A, s1;
	s8 =	simm.s32 @!p0 $0x1BF5;
	p2 =	por !p2, p0  }
0x20: {  	[sflag:s8] =	ssyncset.s32 @!p0 $0xFFFFF086;
	s6 =	sadd.s32 @!p0 s3, s7;
	s7 =	simm.s32 @!p0 $0x108  }
0x21: {  	s3 =	sadd.s32 s3, s9;
	s6 =	sadd.s32 @!p0 $0x88, s6;
	s7 =	simm.s32 @p2 $0x1082  }
0x22: {  	[simem:s7], [sflag:s8] =	dma.local @!p0 [hbm:s6], $0xF7A  }
0x23: {  	s9 =	sor.u32 $0xD0000000, s2;
	s6 =	simm.s32 $0x108;
	_ =	swait.ge @!p0 [sflag:s8], $0x0  }
0x24: {  	s3 =	sadd.s32 $0x88, s3;
	s6 =	simm.s32 @!p1 $0x1082;
	[sflag:s4] =	ssyncset.s32 $0xFFFFF086  }
0x25: {  	[simem:s6], [sflag:s4] =	dma.local [hbm:s3], $0xF7A  }
0x26: {  	[smem:$0x3F9E] =	sst s1;
	(tag) =	ssettag s2;
	_ =	strace s9  }
0x27: {  	s1 =	sld [smem:$0x3FAE]  }
0x28: {  	s2 =	sld [smem:$0x3FAF]  }
0x29: {  	s4 =	sld [smem:$0x3FB1]  }
0x2a: {  	p0 =	seq.s32 s5, $0x0;
	s5 =	sld [smem:$0x3FB2]  }
0x2b: {  	s6 =	sld [smem:$0x3FB3]  }
0x2c: {  	s7 =	sld [smem:$0x3FB4]  }
0x2d: {  	s3 =	simm.s32 $0x108;
	s8 =	sld [smem:$0x3FB5]  }
0x2e: {  	s3 =	simm.s32 @!p0 $0x1082;
	s9 =	sld [smem:$0x3FB6]  }
0x2f: {  	lr =	sadd.s32 s0, s3;
	s0 =	sld [smem:$0x3FAD]  }
0x30: {  	s3 =	sld [smem:$0x3FB0]  }
0x31: {  	[smem:$0x3FB9] =	sst s10  }
0x32: {  	s10 =	sld [smem:$0x3FB7];
	_ =	sdelay $0x3  }
0x33: {  	p0 =	seq.s32 s10, $0x1;
	s10 =	sld [smem:$0x3FB9];
	_ =	sdelay $0x3  }
0x34: {  	[smem:$0x3FB9] =	sst s10  }
0x35: {  	s10 =	sld [smem:$0x3FB8];
	_ =	sdelay $0x3  }
0x36: {  	p1 =	seq.s32 s10, $0x1;
	s10 =	sld [smem:$0x3FB9];
	_ =	sdelay $0x3  }
0x37: {  	[smem:$0x3FB9] =	sst s10  }
0x38: {  	s10 =	sld [smem:$0x3FBA]  }
0x39: {  	_ = 	snop;
	(pc) =	sbr.ind lr, $3  }
0x3a: {  	_ = 	snop  }
0x3b: {  	_ = 	snop  }
0x3c: {  	p2 =	seq.s32 s10, $0x1;
	s10 =	sld [smem:$0x3FB9]  }
0x3d: {  	_ =	shalt  }
0x3e: {  	_ =	shalt  }
0x3f: {  	_ =	shalt  }
0x40: {  	_ =	shalt  }
0x41: {  	_ =	shalt  }
0x42: {  	_ =	shalt  }
0x43: {  	_ =	shalt  }
0x44: {  	_ =	shalt  }
0x45: {  	_ =	shalt  }
0x46: {  	_ =	shalt  }
0x47: {  	_ =	shalt  }
0x48: {  	_ =	shalt  }
0x49: {  	_ =	shalt  }
0x4a: {  	_ =	shalt  }
0x4b: {  	_ =	shalt  }
0x4c: {  	_ =	shalt  }
0x4d: {  	_ =	shalt  }
0x4e: {  	_ =	shalt  }
0x4f: {  	_ =	shalt  }
0x50: {  	_ =	shalt  }
0x51: {  	_ =	shalt  }
0x52: {  	_ =	shalt  }
0x53: {  	_ =	shalt  }
0x54: {  	_ =	shalt  }
0x55: {  	_ =	shalt  }
0x56: {  	_ =	shalt  }
0x57: {  	_ =	shalt  }
0x58: {  	_ =	shalt  }
0x59: {  	_ =	shalt  }
0x5a: {  	_ =	shalt  }
0x5b: {  	_ =	shalt  }
0x5c: {  	_ =	shalt  }
0x5d: {  	_ =	shalt  }
0x5e: {  	_ =	shalt  }
0x5f: {  	_ =	shalt  }
0x60: {  	_ =	shalt  }
0x61: {  	_ =	shalt  }
0x62: {  	_ =	shalt  }
0x63: {  	_ =	shalt  }
0x64: {  	_ =	shalt  }
0x65: {  	_ =	shalt  }
0x66: {  	_ =	shalt  }
0x67: {  	_ =	shalt  }
0x68: {  	_ =	shalt  }
0x69: {  	_ =	shalt  }
0x6a: {  	_ =	shalt  }
0x6b: {  	_ =	shalt  }
0x6c: {  	_ =	shalt  }
0x6d: {  	_ =	shalt  }
0x6e: {  	_ =	shalt  }
0x6f: {  	_ =	shalt  }
0x70: {  	_ =	shalt  }
0x71: {  	_ =	shalt  }
0x72: {  	_ =	shalt  }
0x73: {  	_ =	shalt  }
0x74: {  	_ =	shalt  }
0x75: {  	_ =	shalt  }
0x76: {  	_ =	shalt  }
0x77: {  	_ =	shalt  }
0x78: {  	_ =	shalt  }
0x79: {  	_ =	shalt  }
0x7a: {  	_ =	shalt  }
0x7b: {  	_ =	shalt  }
0x7c: {  	_ =	shalt  }
0x7d: {  	_ =	shalt  }
0x7e: {  	_ =	shalt  }
0x7f: {  	_ =	shalt  }
0x80: {  	_ =	shalt  }
0x81: {  	_ =	shalt  }
0x82: {  	_ =	shalt  }
0x83: {  	_ =	shalt  }
0x84: {  	_ =	shalt  }
0x85: {  	_ =	shalt  }
0x86: {  	_ =	shalt  }
0x87: {  	_ =	shalt  }
.Lfunc_end0:
.L_simem_size_0:
called_computation_lowered:
.L_overlay_start_0:
0x88: {  	s2 =	sld [smem:$0x3FD9]  }
0x89: {  	s3 =	sld [smem:$0x3FFE];
	_ =	sdelay $0x1  }
0x8a: {  	s1 =	srdreg.scid  }
0x8b: {  	s0 =	sand.u32 $0x1, s1  }
0x8c: {  	s17 =	sshll.u32 s0, $0xA;
	s2 =	sadd.s32 s3, s2  }
0x8d: {  	s2 =	sadd.s32 s2, s17  }
0x8e: {  	[smem:$0x3FC5] =	sst s2  }
0x8f: {  	_ = 	snop  }
0x90: {  	s18 =	sld [smem:$0x3FD0];
	(tm) =	ssettm $0x1  }
0x91: {  	s19 =	sld [smem:$0x3FFB];
	_ =	sdelay $0x3  }
0x92: {  	_ =	strace s19  }
0x93: {  	s2 =	sld [smem:$0x3FFC];
	_ =	sdelay $0x3  }
0x94: {  	_ =	strace s2  }
0x95: {  	s2 =	sld [smem:$0x3FFD];
	_ =	sdelay $0x3  }
0x96: {  	_ =	strace s2  }
0x97: {  	_ =	strace $0x8FFFFFFF  }
0x98: {  	s20 =	sld [smem:$0x3FDB];
	_ =	sdelay $0x1  }
0x99: {  	s4 =	simm.s32 $_scs_section_size  }
0x9a: {  	s5 =	simm.s32 $_size__tile_overlayer_lowered;
	s6 =	simm.s32 $_tile_overlayer_lowered  }
0x9b: {  	s7 =	simm.s32 $0x1BFF;
	s21 =	sshll.u32 s6, $0x1;
	s4 =	sadd.s32 s4, s20  }
0x9c: {  	s22 =	simm.s32 $0x0;
	s5 =	sshll.u32 s5, $0x1;
	s6 =	sadd.s32 s21, s4  }
0x9d: {  	[timem:s22], [sflag:s7] =	dma.local [hbm:s6], s5  }
0x9e: {  	_ =	swait.ge [sflag:s7], s5  }
0x9f: {  	s5 =	ssub.s32 $0x0, s5;
	[sflag:s7] =	ssyncset.done $0x0  }
0xa0: {  	[sflag:s7] =	ssyncadd.s32 s5;
	_ =	sdelay $0x1  }
0xa1: {  	s23 =	simm.s32 $0x1B8B  }
0xa2: {  	_ =	swait.ge [sflag:s23], $0x1  }
0xa3: {  	[sflag:s23] =	ssyncset.done $0x0  }
0xa4: {  	[sflag:s23] =	ssyncadd.s32 $0xFFFFFFFF  }
0xa5: {  	s5 =	sld [smem:$0x0]  }
0xa6: {  	s6 =	sand.u32 $0xFFFFFFFE, s1  }
0xa7: {  	p0 =	sne.s32 s1, s6  }
0xa8: {  	s6 =	sshll.u32 @p0 s6, $0xE  }
0xa9: {  	s6 =	sadd.s32 @p0 $0x11B8D, s6;
	s7 =	sshll.u32 @p0 s5, $0x11  }
0xaa: {  	s6 =	sor.u32 @p0 s7, s6  }
0xab: {  	[sflag:s6] =	ssyncadd.remote.s32 @p0 $0x1;
	_ =	sdelay $0x1  }
0xac: {  	s6 =	simm.s32 @p0 $0x1B8D  }
0xad: {  	_ =	swait.eq @p0 [sflag:s6], $0x1  }
0xae: {  	[sflag:s6] =	ssyncadd.s32 @p0 $0xFFFFFFFF  }
0xaf: {  	s7 =	sshll.u32 @!p0 s1, $0xE  }
0xb0: {  	s7 =	sor.u32 @!p0 $0x4000, s7;
	s6 =	simm.s32 @!p0 $0x1B8D  }
0xb1: {  	s5 =	sshll.u32 @!p0 s5, $0x11;
	s7 =	sadd.s32 @!p0 $0x11B8D, s7;
	_ =	swait.eq @!p0 [sflag:s6], $0x1  }
0xb2: {  	s5 =	sor.u32 @!p0 s5, s7;
	[sflag:s6] =	ssyncadd.s32 @!p0 $0xFFFFFFFF  }
0xb3: {  	s25 =	simm.s32 $0x1B8E;
	s24 =	sld [smem:$0x3FFE];
	[sflag:s5] =	ssyncadd.remote.s32 @!p0 $0x1  }
0xb4: {  	s26 =	simm.s32 $execute0_lowered;
	[smem:$0x3FD2] =	sst s25  }
0xb5: {  	s6 =	sshll.u32 s26, $0x1;
	_ =	strace $0x80000049;
	[dreg:$0x1] =	wrdreg $0xFFFFFFFF  }
0xb6: {  	s28 =	simm.s32 $_size_execute0_lowered;
	s4 =	sadd.s32 s4, s6;
	[dreg:$0x0] =	wrdreg $0x0  }
0xb7: {  	s6 =	sshll.u32 s28, $0x1;
	[dreg:$0x2] =	wrdreg s4  }
0xb8: {  	[dreg:$0x3] =	wrdreg s6  }
0xb9: {  	[dreg:$0x4] =	wrdreg $0xC0  }
0xba: {  	_ =	task [dreg:s22], $0x5FFFF  }
0xbb: {  	[dreg:$0x1] =	wrdreg $0xFFFFFFFF  }
0xbc: {  	[dreg:$0x0] =	wrdreg $0x60  }
0xbd: {  	[dreg:$0x2] =	wrdreg s18  }
0xbe: {  	[dreg:$0x3] =	wrdreg s24  }
0xbf: {  	[dreg:$0x4] =	wrdreg $0x0  }
0xc0: {  	[dreg:$0x5] =	wrdreg $0x9  }
0xc1: {  	_ =	task.clear_ibuf [dreg:s22], $0x6FFFF;
	_ =	strace $0x90000049  }
0xc2: {  	s29 =	simm.s32 $0x9;
	_ =	strace $0x8000004B  }
0xc3: {  	_ =	swait.ge [sflag:s29], $0x1  }
0xc4: {  	[sflag:s29] =	ssyncadd.s32 $0xFFFFFFFF  }
0xc5: {  	_ =	strace $0x9000004B  }
0xc6: {  	_ =	sfence  }
0xc7: {  	s30 =	sld [smem:$0x0];
	_ =	sdelay $0x2  }
0xc8: {  	s31 =	sshll.u32 s1, $0xD;
	s1 =	sshrl.u32 s1, $0x2  }
0xc9: {  	s4 =	sand.u32 $0x4000, s31;
	s1 =	sadd.s32 s1, s30  }
0xca: {  	s0 =	sor.u32 s4, s0;
	s1 =	sshll.u32 s1, $0x11  }
0xcb: {  	s0 =	sor.u32 s1, s0  }
0xcc: {  	s0 =	sadd.s32 $0x8F2B, s0  }
0xcd: {  	[sflag:s0] =	ssyncadd.remote.s32 $0x1  }
0xce: {  	_ =	sfence.sel $0xFFFF  }
0xcf: {  	[dreg:$0x0] =	wrdreg $0xFFFFFFFF;
	(pc) =	sbr.abs _section_cstart, $3  }
0xd0: {  	[dreg:$0x1] =	wrdreg $0xFFFFFFFF  }
0xd1: {  	_ =	task.clear_ibuf [dreg:s22], $0x2FFFF;
	_ =	strace $0x9FFFFFFF  }
0xd2: {  	(tm) =	ssettm $0x7FFFFFFF  }
0xd3: {  	_ =	shalt  }
tec
execute0_lowered:
.L_overlay_start_1:
0x0: {  	(tag) =	ssettag $0x1  }
0x1: {  	s1 =	rddreg [dreg:$0x0]  }
0x2: {  	s0 =	rddreg [dreg:$0x1]  }
0x3: {  	s2 =	rddreg [dreg:$0x2]  }
0x4: {  	s3 =	simm.s32 $0x0;
	s4 =	srdreg.scid;
	s6 =	stileid.u32  }
0x5: {  	s28 =	simm.s32 $0x19200;
	s29 =	simm.s32 $0x3;
	s30 =	simm.s32 $0x14000  }
0x6: {  	s31 =	simm.s32 $0x14080;
	[smem:$0x7FF] =	sst s3;
	s4 =	sand.u32 $0x1, s4  }
0x7: {  	s5 =	sadd.s32 $0x21C00, s0;
	s8 =	sadd.s32 $0xD4400, s0;
	s10 =	smul.u32 $0x14000, s6  }
0x8: {  	s9 =	sadd.s32 $0xDC200, s0;
	s26 =	sadd.s32 $0x31C00, s0;
	s24 =	smul.u32 $0x50000, s6  }
0x9: {  	s11 =	sadd.s32 $0x31600, s0;
	s14 =	smul.u32 $0x3E80, s6;
	s16 =	sshll.u32 s6, $0xD  }
0xa: {  	_ =	strace $0x8000004A;
	s7 =	smul.u32 $0x140000, s4;
	[dreg:$0x4] =	wrdreg s11  }
0xb: {  	s25 =	ssub.s32 $0x2, s4;
	s12 =	smul.u32 $0x3E800, s4;
	s4 =	sshll.u32 s4, $0x11  }
0xc: {  	s13 =	sshrl.u32 s25, $0x1;
	s15 =	sshrl.u32 s24, $0x2;
	s4 =	sor.u32 s16, s4  }
0xd: {  	s19 =	sshrl.u32 s14, $0x3;
	s7 =	sadd.s32 s10, s7;
	s13 =	ssub.s32 s25, s13  }
0xe: {  	s11 =	sadd.s32 s14, s12;
	s10 =	sadd.s32 s15, s2;
	s12 =	sshrl.u32 s4, $0x3  }
0xf: {  	s25 =	smul.u32 $0x7D0, s6;
	s7 =	sshrl.u32 s7, $0x3;
	[dreg:$0x5] =	wrdreg s10  }
0x10: {  	s17 =	sshrl.u32 s11, $0x3;
	s10 =	sadd.s32 s8, s19;
	s12 =	sadd.s32 s9, s12  }
0x11: {  	s24 =	smax.u32 s13, $0x1;
	s13 =	sor.u32 $0x100, s4;
	s4 =	sor.u32 $0x180, s4  }
0x12: {  	s15 =	sadd.s32 $0x180, s11;
	s0 =	sadd.s32 s7, s0;
	s18 =	sadd.s32 s5, s17  }
0x13: {  	s21 =	sadd.s32 $0x10, s10;
	s23 =	sadd.s32 $0x10, s12;
	[dreg:$0xe] =	wrdreg s24  }
0x14: {  	[dreg:$0x7] =	wrdreg s10;
	s19 =	sadd.s32 $0x7C0, s10;
	s14 =	sshrl.u32 s13, $0x3  }
0x15: {  	s16 =	sshrl.u32 s4, $0x3;
	s17 =	sshrl.u32 s15, $0x3;
	[dreg:$0x9] =	wrdreg s12  }
0x16: {  	s4 =	simm.s32 $0x14200;
	s13 =	simm.s32 $0x1;
	[dreg:$0xa] =	wrdreg s21  }
0x17: {  	s15 =	simm.s32 $0x0;
	s20 =	sadd.s32 $0x10, s18;
	[dreg:$0xc] =	wrdreg s23  }
0x18: {  	s22 =	sadd.s32 $0x134200, s0;
	s0 =	sadd.s32 $0xE4200, s0;
	[dreg:$0x6] =	wrdreg s18  }
0x19: {  	s7 =	sadd.s32 $0x7C0, s18;
	s21 =	sadd.s32 s14, s9;
	[dreg:$0x8] =	wrdreg s20  }
0x1a: {  	s23 =	sadd.s32 $0x3F0, s12;
	s24 =	sadd.s32 s17, s5;
	[dreg:$0xb] =	wrdreg s22  }
0x1b: {  	s18 =	sadd.s32 $0x3E0, s12;
	s14 =	simm.s32 $0x2;
	[dreg:$0xd] =	wrdreg s0  }
0x1c: {  	[dreg:$0xf] =	wrdreg s7;
	s20 =	sadd.s32 s25, s8;
	s22 =	sadd.s32 s16, s9  }
0x1d: {  	s25 =	sadd.s32 $0x100, s11;
	[dreg:$0x10] =	wrdreg s18;
	s0 =	simm.s32 $0x50  }
0x1e: {  	s7 =	simm.s32 $0x14100;
	s8 =	simm.s32 $0x14180;
	s11 =	simm.s32 $0x16A00  }
.LBB2_1:
0x1f: {  	s6 =	rddreg [dreg:$0x4];
	s18 =	stileid.u32  }
0x20: {  	[tilespmem:s28], [sflag:$0x3] =	stream.linear.gather [hbm4b:s6+s3], $0x2800, $0x38;
	[tilespmem:$0x1BA00] =	vst v63  }
0x21: {  	s9 =	sshll.u32 s18, $0x6;
	_ =	swait.ge [sflag:s29], $0x2800  }
0x22: {  	s16 =	sor.u32 $0x1C03, s9;
	[sflag:s29] =	ssyncset.done $0x0;
	s9 =	rddreg [dreg:$0x5]  }
0x23: {  	[sflag:s29] =	ssyncadd.s32 $0xFFFFD800;
	s17 =	sshrl.u32 s9, $0x3  }
0x24: {  	[spmem:s17], [sflag:s16] =	dma.local [hbm:s26], $0x2800  }
0x25: {  	_ =	swait.ge [sflag:s29], $0x2800  }
0x26: {  	[sflag:s29] =	ssyncset.done $0x0  }
0x27: {  	[sflag:s29] =	ssyncadd.s32 $0xFFFFD800  }
0x28: {  	[bflag:$0x0] =	sbarrier.arrive $0xFFFF  }
0x29: {  	s10 =	rddreg [dreg:$0x6]  }
0x2a: {  	[tilespmem:s30], [sflag:$0x3] =	stream.linear.gather [hbm4b:s10+s3], $0x80, $0x38;
	[tilespmem:$0x1BA00] =	vst v63  }
0x2b: {  	_ =	swait.ge [sflag:s29], $0x80  }
0x2c: {  	[sflag:s29] =	ssyncset.done $0x0  }
0x2d: {  	s12 =	rddreg [dreg:$0x7];
	[sflag:s29] =	ssyncadd.s32 $0xFFFFFF80  }
0x2e: {  	[tilespmem:s31], [sflag:$0x3] =	stream.linear.gather [hbm4b:s12+s3], $0x80, $0x38;
	[tilespmem:$0x1BA00] =	vst v63  }
0x2f: {  	_ =	swait.ge [sflag:s29], $0x80  }
0x30: {  	[sflag:s29] =	ssyncset.done $0x0  }
0x31: {  	[sflag:s29] =	ssyncadd.s32 $0xFFFFFF80  }
0x32: {  	[tilespmem:s4], [sflag:$0x1] =	stream.indirect.gather [hbm4b:s1+s0], $0x80, s30, s0, $0xb8;
	[tilespmem:$0x1BA00] =	vst v63  }
0x33: {  	s18 =	smov.u32 s26;
	s26 =	rddreg [dreg:$0x8]  }
0x34: {  	[tilespmem:s7], [sflag:$0x3] =	stream.linear.gather [hbm4b:s26+s3], $0x80, $0x38;
	[tilespmem:$0x1BA00] =	vst v63  }
0x35: {  	_ =	swait.ge [sflag:s29], $0x80  }
0x36: {  	[sflag:s29] =	ssyncset.done $0x0  }
0x37: {  	s9 =	rddreg [dreg:$0xa];
	[sflag:s29] =	ssyncadd.s32 $0xFFFFFF80  }
0x38: {  	[tilespmem:s8], [sflag:$0x3] =	stream.linear.gather [hbm4b:s9+s3], $0x80, $0x38;
	[tilespmem:$0x1BA00] =	vst v63  }
0x39: {  	_ =	swait.ge [sflag:s29], $0x80  }
0x3a: {  	[sflag:s29] =	ssyncset.done $0x0  }
0x3b: {  	[sflag:s29] =	ssyncadd.s32 $0xFFFFFF80  }
0x3c: {  	[tilespmem:s11], [sflag:$0x2] =	stream.indirect.gather [hbm4b:s1+s0], $0x80, s7, s0, $0xb8;
	[tilespmem:$0x1BA00] =	vst v63  }
0x3d: {  	_ =	swait.ge [sflag:s13], $0x2800  }
0x3e: {  	[sflag:s13] =	ssyncset.done $0x0  }
0x3f: {  	[sflag:s13] =	ssyncadd.s32 $0xFFFFD800  }
0x40: {  	[spmem:s2] =	stream.indirect.scatter.add.f32 [tilespmem:s4], [sflag:$0x3], $0x80, s31, s0, $0xb8;
	[tilespmem:$0x1BA00] =	vst v63  }
0x41: {  	_ =	swait.ge [sflag:s29], $0x2800  }
0x42: {  	s10 =	sshrl.u32 s25, $0x3;
	[sflag:s29] =	ssyncset.done $0x0  }
0x43: {  	s9 =	sadd.s32 s5, s10;
	[sflag:s29] =	ssyncadd.s32 $0xFFFFD800  }
0x44: {  	[tilespmem:s30], [sflag:$0x3] =	stream.linear.gather [hbm4b:s9+s3], $0x80, $0x38;
	[tilespmem:$0x1BA00] =	vst v63  }
0x45: {  	_ =	swait.ge [sflag:s29], $0x80  }
0x46: {  	s12 =	sadd.s32 $0x0, s20;
	[sflag:s29] =	ssyncset.done $0x0  }
0x47: {  	s10 =	sadd.s32 $0x20, s12;
	[sflag:s29] =	ssyncadd.s32 $0xFFFFFF80  }
0x48: {  	[tilespmem:s31], [sflag:$0x3] =	stream.linear.gather [hbm4b:s10+s3], $0x80, $0x38;
	[tilespmem:$0x1BA00] =	vst v63  }
0x49: {  	_ =	swait.ge [sflag:s29], $0x80  }
0x4a: {  	[sflag:s29] =	ssyncset.done $0x0  }
0x4b: {  	[sflag:s29] =	ssyncadd.s32 $0xFFFFFF80  }
0x4c: {  	[tilespmem:s4], [sflag:$0x1] =	stream.indirect.gather [hbm4b:s1+s0], $0x80, s30, s0, $0xb8;
	[tilespmem:$0x1BA00] =	vst v63  }
0x4d: {  	_ =	swait.ge [sflag:s14], $0x2800  }
0x4e: {  	[sflag:s14] =	ssyncset.done $0x0  }
0x4f: {  	[sflag:s14] =	ssyncadd.s32 $0xFFFFD800  }
0x50: {  	[spmem:s2] =	stream.indirect.scatter.add.f32 [tilespmem:s11], [sflag:$0x3], $0x80, s8, s0, $0xb8;
	[tilespmem:$0x1BA00] =	vst v63  }
0x51: {  	_ =	swait.ge [sflag:s29], $0x2800  }
0x52: {  	[sflag:s29] =	ssyncset.done $0x0  }
0x53: {  	s26 =	sadd.s32 $0x0, s24;
	[sflag:s29] =	ssyncadd.s32 $0xFFFFD800  }
0x54: {  	[tilespmem:s7], [sflag:$0x3] =	stream.linear.gather [hbm4b:s26+s3], $0x80, $0x38;
	[tilespmem:$0x1BA00] =	vst v63  }
0x55: {  	_ =	swait.ge [sflag:s29], $0x80  }
0x56: {  	[sflag:s29] =	ssyncset.done $0x0  }
0x57: {  	s9 =	sadd.s32 $0x30, s12;
	[sflag:s29] =	ssyncadd.s32 $0xFFFFFF80  }
0x58: {  	[tilespmem:s8], [sflag:$0x3] =	stream.linear.gather [hbm4b:s9+s3], $0x80, $0x38;
	[tilespmem:$0x1BA00] =	vst v63  }
0x59: {  	_ =	swait.ge [sflag:s29], $0x80  }
0x5a: {  	[sflag:s29] =	ssyncset.done $0x0  }
0x5b: {  	s10 =	sadd.s32 $0x100, s25;
	s9 =	simm.s32 $0x20;
	[sflag:s29] =	ssyncadd.s32 $0xFFFFFF80  }
.LBB2_2:
0x5c: {  	[tilespmem:s11], [sflag:$0x2] =	stream.indirect.gather [hbm4b:s1+s0], $0x80, s7, s0, $0xb8;
	[tilespmem:$0x1BA00] =	vst v63  }
0x5d: {  	s26 =	smov.u32 s9  }
0x5e: {  	p0 =	sne.s32 s9, $0x780;
	s9 =	sadd.s32 $0x20, s9;
	_ =	swait.ge [sflag:s13], $0x2800  }
0x5f: {  	[sflag:s13] =	ssyncset.done $0x0  }
0x60: {  	[sflag:s13] =	ssyncadd.s32 $0xFFFFD800  }
0x61: {  	[spmem:s2] =	stream.indirect.scatter.add.f32 [tilespmem:s4], [sflag:$0x3], $0x80, s31, s0, $0xb8;
	[tilespmem:$0x1BA00] =	vst v63  }
0x62: {  	_ =	swait.ge [sflag:s29], $0x2800  }
0x63: {  	s12 =	sshrl.u32 s10, $0x3;
	[sflag:s29] =	ssyncset.done $0x0  }
0x64: {  	s12 =	sadd.s32 s5, s12;
	[sflag:s29] =	ssyncadd.s32 $0xFFFFD800  }
0x65: {  	[tilespmem:s30], [sflag:$0x3] =	stream.linear.gather [hbm4b:s12+s3], $0x80, $0x38;
	[tilespmem:$0x1BA00] =	vst v63  }
0x66: {  	_ =	swait.ge [sflag:s29], $0x80  }
0x67: {  	s12 =	sadd.s32 s26, s20;
	[sflag:s29] =	ssyncset.done $0x0  }
0x68: {  	s6 =	sadd.s32 $0x20, s12;
	[sflag:s29] =	ssyncadd.s32 $0xFFFFFF80  }
0x69: {  	[tilespmem:s31], [sflag:$0x3] =	stream.linear.gather [hbm4b:s6+s3], $0x80, $0x38;
	[tilespmem:$0x1BA00] =	vst v63  }
0x6a: {  	_ =	swait.ge [sflag:s29], $0x80  }
0x6b: {  	[sflag:s29] =	ssyncset.done $0x0  }
0x6c: {  	[sflag:s29] =	ssyncadd.s32 $0xFFFFFF80  }
0x6d: {  	[tilespmem:s4], [sflag:$0x1] =	stream.indirect.gather [hbm4b:s1+s0], $0x80, s30, s0, $0xb8;
	[tilespmem:$0x1BA00] =	vst v63  }
0x6e: {  	_ =	swait.ge [sflag:s14], $0x2800  }
0x6f: {  	[sflag:s14] =	ssyncset.done $0x0  }
0x70: {  	[sflag:s14] =	ssyncadd.s32 $0xFFFFD800  }
0x71: {  	[spmem:s2] =	stream.indirect.scatter.add.f32 [tilespmem:s11], [sflag:$0x3], $0x80, s8, s0, $0xb8;
	[tilespmem:$0x1BA00] =	vst v63  }
0x72: {  	_ =	swait.ge [sflag:s29], $0x2800  }
0x73: {  	[sflag:s29] =	ssyncset.done $0x0  }
0x74: {  	s6 =	sadd.s32 s26, s24;
	[sflag:s29] =	ssyncadd.s32 $0xFFFFD800  }
0x75: {  	[tilespmem:s7], [sflag:$0x3] =	stream.linear.gather [hbm4b:s6+s3], $0x80, $0x38;
	[tilespmem:$0x1BA00] =	vst v63  }
0x76: {  	_ =	swait.ge [sflag:s29], $0x80  }
0x77: {  	[sflag:s29] =	ssyncset.done $0x0  }
.Ltmp0:
0x78: {  	s6 =	sadd.s32 $0x30, s12;
	[sflag:s29] =	ssyncadd.s32 $0xFFFFFF80;
	(pc) =	sbr.rel @p0 .LBB2_2-.Ltmp0, $4  }
0x79: {  	[tilespmem:s8], [sflag:$0x3] =	stream.linear.gather [hbm4b:s6+s3], $0x80, $0x38;
	[tilespmem:$0x1BA00] =	vst v63  }
0x7a: {  	_ =	swait.ge [sflag:s29], $0x80  }
0x7b: {  	[sflag:s29] =	ssyncset.done $0x0  }
0x7c: {  	s10 =	sadd.s32 $0x100, s10;
	[sflag:s29] =	ssyncadd.s32 $0xFFFFFF80  }
0x7d: {  	[tilespmem:s11], [sflag:$0x2] =	stream.indirect.gather [hbm4b:s1+s0], $0x80, s7, s0, $0xb8;
	[tilespmem:$0x1BA00] =	vst v63  }
0x7e: {  	_ =	swait.ge [sflag:s13], $0x2800  }
0x7f: {  	[sflag:s13] =	ssyncset.done $0x0  }
0x80: {  	[sflag:s13] =	ssyncadd.s32 $0xFFFFD800  }
0x81: {  	[spmem:s2] =	stream.indirect.scatter.add.f32 [tilespmem:s4], [sflag:$0x3], $0x80, s31, s0, $0xb8;
	[tilespmem:$0x1BA00] =	vst v63  }
0x82: {  	_ =	swait.ge [sflag:s29], $0x2800  }
0x83: {  	[sflag:s29] =	ssyncset.done $0x0  }
0x84: {  	s6 =	simm.s32 $0x0;
	s9 =	rddreg [dreg:$0xf];
	[sflag:s29] =	ssyncadd.s32 $0xFFFFD800  }
0x85: {  	[tilespmem:s30], [sflag:$0x3] =	stream.linear.gather [hbm4b:s9+s6], $0x80, $0x38;
	[tilespmem:$0x1BA00] =	vst v63  }
0x86: {  	_ =	swait.ge [sflag:s29], $0x80  }
0x87: {  	[sflag:s29] =	ssyncset.done $0x0  }
0x88: {  	[sflag:s29] =	ssyncadd.s32 $0xFFFFFF80  }
0x89: {  	[tilespmem:s31], [sflag:$0x3] =	stream.linear.gather [hbm4b:s19+s6], $0x80, $0x38;
	[tilespmem:$0x1BA00] =	vst v63  }
0x8a: {  	_ =	swait.ge [sflag:s29], $0x80  }
0x8b: {  	[sflag:s29] =	ssyncset.done $0x0  }
0x8c: {  	[sflag:s29] =	ssyncadd.s32 $0xFFFFFF80  }
0x8d: {  	[tilespmem:s4], [sflag:$0x1] =	stream.indirect.gather [hbm4b:s1+s0], $0x80, s30, s0, $0xb8;
	[tilespmem:$0x1BA00] =	vst v63  }
0x8e: {  	_ =	swait.ge [sflag:s14], $0x2800  }
0x8f: {  	[sflag:s14] =	ssyncset.done $0x0  }
0x90: {  	[sflag:s14] =	ssyncadd.s32 $0xFFFFD800  }
0x91: {  	[spmem:s2] =	stream.indirect.scatter.add.f32 [tilespmem:s11], [sflag:$0x3], $0x80, s8, s0, $0xb8;
	[tilespmem:$0x1BA00] =	vst v63  }
0x92: {  	_ =	swait.ge [sflag:s29], $0x2800  }
0x93: {  	[sflag:s29] =	ssyncset.done $0x0  }
0x94: {  	[sflag:s29] =	ssyncadd.s32 $0xFFFFD800  }
0x95: {  	[tilespmem:s7], [sflag:$0x3] =	stream.linear.gather [hbm4b:s9+s6], $0x80, $0x38;
	[tilespmem:$0x1BA00] =	vst v63  }
0x96: {  	_ =	swait.ge [sflag:s29], $0x80  }
0x97: {  	[sflag:s29] =	ssyncset.done $0x0  }
0x98: {  	[sflag:s29] =	ssyncadd.s32 $0xFFFFFF80  }
0x99: {  	[tilespmem:s8], [sflag:$0x3] =	stream.linear.gather [hbm4b:s19+s6], $0x80, $0x38;
	[tilespmem:$0x1BA00] =	vst v63  }
0x9a: {  	_ =	swait.ge [sflag:s29], $0x80  }
0x9b: {  	[sflag:s29] =	ssyncset.done $0x0  }
0x9c: {  	[sflag:s29] =	ssyncadd.s32 $0xFFFFFF80  }
0x9d: {  	[tilespmem:s11], [sflag:$0x2] =	stream.indirect.gather [hbm4b:s1+s0], $0x80, s7, s0, $0xb8;
	[tilespmem:$0x1BA00] =	vst v63  }
0x9e: {  	_ =	swait.ge [sflag:s13], $0x2800  }
0x9f: {  	[sflag:s13] =	ssyncset.done $0x0  }
0xa0: {  	[sflag:s13] =	ssyncadd.s32 $0xFFFFD800  }
0xa1: {  	[spmem:s2] =	stream.indirect.scatter.add.f32 [tilespmem:s4], [sflag:$0x3], $0x80, s31, s0, $0xb8;
	[tilespmem:$0x1BA00] =	vst v63  }
0xa2: {  	_ =	swait.ge [sflag:s29], $0x2800  }
0xa3: {  	[sflag:s29] =	ssyncset.done $0x0  }
0xa4: {  	[sflag:s29] =	ssyncadd.s32 $0xFFFFD800  }
0xa5: {  	_ =	swait.ge [sflag:s14], $0x2800  }
0xa6: {  	[sflag:s14] =	ssyncset.done $0x0  }
0xa7: {  	[sflag:s14] =	ssyncadd.s32 $0xFFFFD800  }
0xa8: {  	[bflag:$0x0] =	sbarrier.arrive $0xFFFF  }
0xa9: {  	s26 =	rddreg [dreg:$0xb]  }
0xaa: {  	[hbm:s26], [sflag:s16] =	dma.local [spmem:s17], $0x2800  }
0xab: {  	_ =	swait.ge [sflag:s29], $0x2800  }
0xac: {  	[sflag:s29] =	ssyncset.done $0x0  }
0xad: {  	[sflag:s29] =	ssyncadd.s32 $0xFFFFD800  }
0xae: {  	[bflag:$0x0] =	sbarrier.arrive $0xFFFF  }
0xaf: {  	[spmem:s17], [sflag:s16] =	dma.local [hbm:s18], $0x2800  }
0xb0: {  	_ =	swait.ge [sflag:s29], $0x2800  }
0xb1: {  	[sflag:s29] =	ssyncset.done $0x0  }
0xb2: {  	[sflag:s29] =	ssyncadd.s32 $0xFFFFD800  }
0xb3: {  	[bflag:$0x0] =	sbarrier.arrive $0xFFFF  }
0xb4: {  	s10 =	rddreg [dreg:$0x9]  }
0xb5: {  	[tilespmem:s31], [sflag:$0x1] =	stream.linear.gather [hbm4b:s10+s6], $0x80, $0x38;
	[tilespmem:$0x1BA00] =	vst v63  }
0xb6: {  	s12 =	rddreg [dreg:$0xc]  }
0xb7: {  	[tilespmem:s8], [sflag:$0x2] =	stream.linear.gather [hbm4b:s12+s6], $0x80, $0x38;
	[tilespmem:$0x1BA00] =	vst v63  }
0xb8: {  	_ =	swait.ge [sflag:s13], $0x80  }
0xb9: {  	[sflag:s13] =	ssyncset.done $0x0  }
0xba: {  	[sflag:s13] =	ssyncadd.s32 $0xFFFFFF80  }
0xbb: {  	[spmem:s2] =	stream.indirect.scatter.add.f32 [tilespmem:s28], [sflag:$0x3], $0x80, s31, s0, $0xb8;
	[tilespmem:$0x1BA00] =	vst v63  }
0xbc: {  	_ =	swait.ge [sflag:s29], $0x2800  }
0xbd: {  	[sflag:s29] =	ssyncset.done $0x0  }
0xbe: {  	s26 =	smov.u32 s18;
	s18 =	sadd.s32 $0x0, s21;
	[sflag:s29] =	ssyncadd.s32 $0xFFFFD800  }
0xbf: {  	[tilespmem:s31], [sflag:$0x1] =	stream.linear.gather [hbm4b:s18+s3], $0x80, $0x38;
	[tilespmem:$0x1BA00] =	vst v63  }
0xc0: {  	_ =	swait.ge [sflag:s14], $0x80  }
0xc1: {  	[sflag:s14] =	ssyncset.done $0x0  }
0xc2: {  	[sflag:s14] =	ssyncadd.s32 $0xFFFFFF80  }
0xc3: {  	[spmem:s2] =	stream.indirect.scatter.add.f32 [tilespmem:s28], [sflag:$0x3], $0x80, s8, s0, $0xb8;
	[tilespmem:$0x1BA00] =	vst v63  }
0xc4: {  	_ =	swait.ge [sflag:s29], $0x2800  }
0xc5: {  	[sflag:s29] =	ssyncset.done $0x0  }
0xc6: {  	s9 =	simm.s32 $0x20;
	s10 =	sadd.s32 $0x0, s22;
	[sflag:s29] =	ssyncadd.s32 $0xFFFFD800  }
.LBB2_4:
0xc7: {  	[tilespmem:s8], [sflag:$0x2] =	stream.linear.gather [hbm4b:s10+s3], $0x80, $0x38;
	[tilespmem:$0x1BA00] =	vst v63  }
0xc8: {  	s6 =	smov.u32 s9  }
0xc9: {  	p0 =	sne.s32 s9, $0x3A0;
	s9 =	sadd.s32 $0x20, s9;
	_ =	swait.ge [sflag:s13], $0x80  }
0xca: {  	[sflag:s13] =	ssyncset.done $0x0  }
0xcb: {  	[sflag:s13] =	ssyncadd.s32 $0xFFFFFF80  }
0xcc: {  	[spmem:s2] =	stream.indirect.scatter.add.f32 [tilespmem:s28], [sflag:$0x3], $0x80, s31, s0, $0xb8;
	[tilespmem:$0x1BA00] =	vst v63  }
0xcd: {  	_ =	swait.ge [sflag:s29], $0x2800  }
0xce: {  	[sflag:s29] =	ssyncset.done $0x0  }
0xcf: {  	s10 =	sadd.s32 s6, s21;
	[sflag:s29] =	ssyncadd.s32 $0xFFFFD800  }
0xd0: {  	[tilespmem:s31], [sflag:$0x1] =	stream.linear.gather [hbm4b:s10+s3], $0x80, $0x38;
	[tilespmem:$0x1BA00] =	vst v63  }
0xd1: {  	_ =	swait.ge [sflag:s14], $0x80  }
0xd2: {  	[sflag:s14] =	ssyncset.done $0x0  }
.Ltmp1:
0xd3: {  	[sflag:s14] =	ssyncadd.s32 $0xFFFFFF80;
	(pc) =	sbr.rel @p0 .LBB2_4-.Ltmp1, $4  }
0xd4: {  	[spmem:s2] =	stream.indirect.scatter.add.f32 [tilespmem:s28], [sflag:$0x3], $0x80, s8, s0, $0xb8;
	[tilespmem:$0x1BA00] =	vst v63  }
0xd5: {  	_ =	swait.ge [sflag:s29], $0x2800  }
0xd6: {  	[sflag:s29] =	ssyncset.done $0x0  }
0xd7: {  	s10 =	sadd.s32 s6, s22;
	[sflag:s29] =	ssyncadd.s32 $0xFFFFD800  }
0xd8: {  	[tilespmem:s8], [sflag:$0x2] =	stream.linear.gather [hbm4b:s10+s3], $0x80, $0x38;
	[tilespmem:$0x1BA00] =	vst v63  }
0xd9: {  	_ =	swait.ge [sflag:s13], $0x80  }
0xda: {  	[sflag:s13] =	ssyncset.done $0x0  }
0xdb: {  	[sflag:s13] =	ssyncadd.s32 $0xFFFFFF80  }
0xdc: {  	[spmem:s2] =	stream.indirect.scatter.add.f32 [tilespmem:s28], [sflag:$0x3], $0x80, s31, s0, $0xb8;
	[tilespmem:$0x1BA00] =	vst v63  }
0xdd: {  	_ =	swait.ge [sflag:s29], $0x2800  }
0xde: {  	[sflag:s29] =	ssyncset.done $0x0  }
0xdf: {  	s6 =	rddreg [dreg:$0x10];
	[sflag:s29] =	ssyncadd.s32 $0xFFFFD800  }
0xe0: {  	[tilespmem:s31], [sflag:$0x1] =	stream.linear.gather [hbm4b:s6+s3], $0x80, $0x38;
	[tilespmem:$0x1BA00] =	vst v63  }
0xe1: {  	_ =	swait.ge [sflag:s14], $0x80  }
0xe2: {  	[sflag:s14] =	ssyncset.done $0x0  }
0xe3: {  	[sflag:s14] =	ssyncadd.s32 $0xFFFFFF80  }
0xe4: {  	[spmem:s2] =	stream.indirect.scatter.add.f32 [tilespmem:s28], [sflag:$0x3], $0x80, s8, s0, $0xb8;
	[tilespmem:$0x1BA00] =	vst v63  }
0xe5: {  	_ =	swait.ge [sflag:s29], $0x2800  }
0xe6: {  	[sflag:s29] =	ssyncset.done $0x0  }
0xe7: {  	[sflag:s29] =	ssyncadd.s32 $0xFFFFD800  }
0xe8: {  	[tilespmem:s8], [sflag:$0x2] =	stream.linear.gather [hbm4b:s23+s3], $0x80, $0x38;
	[tilespmem:$0x1BA00] =	vst v63  }
0xe9: {  	_ =	swait.ge [sflag:s13], $0x80  }
0xea: {  	[sflag:s13] =	ssyncset.done $0x0  }
0xeb: {  	[sflag:s13] =	ssyncadd.s32 $0xFFFFFF80  }
0xec: {  	[spmem:s2] =	stream.indirect.scatter.add.f32 [tilespmem:s28], [sflag:$0x3], $0x80, s31, s0, $0xb8;
	[tilespmem:$0x1BA00] =	vst v63  }
0xed: {  	_ =	swait.ge [sflag:s29], $0x2800  }
0xee: {  	[sflag:s29] =	ssyncset.done $0x0  }
0xef: {  	[sflag:s29] =	ssyncadd.s32 $0xFFFFD800  }
0xf0: {  	[tilespmem:s31], [sflag:$0x1] =	stream.linear.gather [hbm4b:s23+s3], $0x80, $0x38;
	[tilespmem:$0x1BA00] =	vst v63  }
0xf1: {  	_ =	swait.ge [sflag:s14], $0x80  }
0xf2: {  	[sflag:s14] =	ssyncset.done $0x0  }
0xf3: {  	[sflag:s14] =	ssyncadd.s32 $0xFFFFFF80  }
0xf4: {  	[spmem:s2] =	stream.indirect.scatter.add.f32 [tilespmem:s28], [sflag:$0x3], $0x80, s8, s0, $0xb8;
	[tilespmem:$0x1BA00] =	vst v63  }
0xf5: {  	_ =	swait.ge [sflag:s29], $0x2800  }
0xf6: {  	[sflag:s29] =	ssyncset.done $0x0  }
0xf7: {  	[sflag:s29] =	ssyncadd.s32 $0xFFFFD800  }
0xf8: {  	[tilespmem:s8], [sflag:$0x2] =	stream.linear.gather [hbm4b:s23+s3], $0x80, $0x38;
	[tilespmem:$0x1BA00] =	vst v63  }
0xf9: {  	_ =	swait.ge [sflag:s13], $0x80  }
0xfa: {  	[sflag:s13] =	ssyncset.done $0x0  }
0xfb: {  	[sflag:s13] =	ssyncadd.s32 $0xFFFFFF80  }
0xfc: {  	_ =	swait.ge [sflag:s14], $0x80  }
0xfd: {  	[sflag:s14] =	ssyncset.done $0x0  }
0xfe: {  	[sflag:s14] =	ssyncadd.s32 $0xFFFFFF80  }
0xff: {  	[bflag:$0x0] =	sbarrier.arrive $0xFFFF  }
0x100: {  	s12 =	rddreg [dreg:$0xd]  }
0x101: {  	[hbm:s12], [sflag:s16] =	dma.local [spmem:s17], $0x2800  }
0x102: {  	_ =	swait.ge [sflag:s29], $0x2800  }
0x103: {  	s15 =	sadd.s32 $0x1, s15;
	s18 =	rddreg [dreg:$0xe]  }
0x104: {  	p0 =	sne.s32 s15, s18  }
.Ltmp2:
0x105: {  	_ = 	snop;
	(pc) =	sbr.rel @p0 .LBB2_1-.Ltmp2, $3  }
0x106: {  	_ =	sdelay $0x1  }
0x107: {  	[sflag:s29] =	ssyncset.done $0x0  }
0x108: {  	[sflag:s29] =	ssyncadd.s32 $0xFFFFD800  }
0x109: {  	_ =	sfence.sel $0x180000  }
0x10a: {  	[bflag:$0x0] =	sbarrier.arrive $0xFFFF  }
0x10b: {  	_ =	strace $0x9000004A  }
0x10c: {  	s0 =	stileid.u32;
	[bflag:$0x2] =	sbarrier.arrive $0xFFFF  }
0x10d: {  	p0 =	sne.s32 s0, $0x0;
	s0 =	rddreg [dreg:$0x3]  }
0x10e: {  	s0 =	sadd.s32 @!p0 $0x100000, s0  }
0x10f: {  	[sflag:s0] =	ssyncadd.tile.s32 @!p0 $0x1;
	_ =	shalt  }
.Lfunc_end2:
_tile_overlayer_lowered:
.L_overlay_start_2:
0x110: {  	(tag) =	ssettag $0x2  }
0x111: {  	s0 =	rddreg [dreg:$0x0];
	s2 =	stileid.u32  }
0x112: {  	s1 =	rddreg [dreg:$0x1];
	p0 =	sne.s32 s2, $0x0  }
0x113: {  	s3 =	rddreg [dreg:$0x2];
	[bflag:$0x3] =	sbarrier.arrive $0xFFFF;
	s2 =	simm.s32 @!p0 $0x1C03  }
0x114: {  	[timem:s3], [sflag:s2] =	dma.local @!p0 [hbm:s0], s1  }
0x115: {  	s0 =	simm.s32 @!p0 $0x3  }
0x116: {  	_ =	swait.ge @!p0 [sflag:s0], s1  }
0x117: {  	s1 =	ssub.s32 @!p0 $0x0, s1;
	[sflag:s0] =	ssyncset.done @!p0 $0x0  }
0x118: {  	[sflag:s0] =	ssyncadd.s32 @!p0 s1  }
0x119: {  	[bflag:$0x3] =	sbarrier.arrive $0xFFFF  }
0x11a: {  	_ =	shalt  }

// kernel: kernel.8.cloned.1.call-start
scs
__scs_entry_jumppad:
0x0: {  	(pc) =	sbr.rel $0x88, $3  }
0x1: {  	(tag) =	ssettag $0x0;
	lr =	simm.s32 $0x1  }
0x2: {  	[smem:$0x3F9E] =	sst lr;
	_ =	strace $0xD0000000  }
0x3: {  	_ = 	snop  }
0x4: {  	_ = 	snop  }
0x5: {  	_ = 	snop  }
0x6: {  	_ = 	snop  }
0x7: {  	_ = 	snop  }
__scs_overlays_trampoline_lowered:
0x8: {  	[smem:$0x3FAD] =	sst s0  }
0x9: {  	[smem:$0x3FAE] =	sst s1  }
0xa: {  	[smem:$0x3FAF] =	sst s2  }
0xb: {  	[smem:$0x3FB0] =	sst s3  }
0xc: {  	[smem:$0x3FB1] =	sst s4  }
0xd: {  	[smem:$0x3FB2] =	sst s5  }
0xe: {  	[smem:$0x3FB3] =	sst s6  }
0xf: {  	[smem:$0x3FB4] =	sst s7  }
0x10: {  	[smem:$0x3FB5] =	sst s8  }
0x11: {  	[smem:$0x3FB6] =	sst s9;
	s0 =	simm.s32 @!p0 $0x0  }
0x12: {  	s1 =	sld [smem:$0x3F9C];
	s0 =	simm.s32 @p0 $0x1  }
0x13: {  	[smem:$0x3FB7] =	sst s0;
	s0 =	simm.s32 @!p1 $0x0  }
0x14: {  	s2 =	sld [smem:$0x3F9B];
	s0 =	simm.s32 @p1 $0x1  }
0x15: {  	[smem:$0x3FB8] =	sst s0;
	s0 =	simm.s32 @!p2 $0x0  }
0x16: {  	s3 =	sld [smem:$0x3FDB];
	s0 =	simm.s32 @p2 $0x1  }
0x17: {  	s4 =	simm.s32 $0x1BF5;
	[smem:$0x3FBA] =	sst s0  }
0x18: {  	s0 =	sld [smem:$0x3F9D];
	_ =	swait.ge [sflag:s4], $0x0  }
0x19: {  	s7 =	sld [smem:$0x3F9E]  }
0x1a: {  	s8 =	sadd.s32 $0xFFFFE003, lr  }
0x1b: {  	s9 =	sadd.s32 $0xFFFFFEF7, lr;
	s5 =	simm.s32 $0xFFFFFFFF;
	p2 =	slt.u32 s8, $0xFFFFF086  }
0x1c: {  	p1 =	slt.u32 s9, $0xF7A;
	s5 =	simm.s32 @!p2 $0x0  }
0x1d: {  	s5 =	simm.s32 @p1 $0x1;
	p0 =	seq.s32 s7, s2  }
0x1e: {  	s7 =	smul.u32 @!p0 $0xF7A, s2;
	p2 =	seq.s32 @!p0 s5, $0x0  }
0x1f: {  	s9 =	smul.u32 $0xF7A, s1;
	s8 =	simm.s32 @!p0 $0x1BF5;
	p2 =	por !p2, p0  }
0x20: {  	[sflag:s8] =	ssyncset.s32 @!p0 $0xFFFFF086;
	s6 =	sadd.s32 @!p0 s3, s7;
	s7 =	simm.s32 @!p0 $0x108  }
0x21: {  	s3 =	sadd.s32 s3, s9;
	s6 =	sadd.s32 @!p0 $0x88, s6;
	s7 =	simm.s32 @p2 $0x1082  }
0x22: {  	[simem:s7], [sflag:s8] =	dma.local @!p0 [hbm:s6], $0xF7A  }
0x23: {  	s9 =	sor.u32 $0xD0000000, s2;
	s6 =	simm.s32 $0x108;
	_ =	swait.ge @!p0 [sflag:s8], $0x0  }
0x24: {  	s3 =	sadd.s32 $0x88, s3;
	s6 =	simm.s32 @!p1 $0x1082;
	[sflag:s4] =	ssyncset.s32 $0xFFFFF086  }
0x25: {  	[simem:s6], [sflag:s4] =	dma.local [hbm:s3], $0xF7A  }
0x26: {  	[smem:$0x3F9E] =	sst s1;
	(tag) =	ssettag s2;
	_ =	strace s9  }
0x27: {  	s1 =	sld [smem:$0x3FAE]  }
0x28: {  	s2 =	sld [smem:$0x3FAF]  }
0x29: {  	s4 =	sld [smem:$0x3FB1]  }
0x2a: {  	p0 =	seq.s32 s5, $0x0;
	s5 =	sld [smem:$0x3FB2]  }
0x2b: {  	s6 =	sld [smem:$0x3FB3]  }
0x2c: {  	s7 =	sld [smem:$0x3FB4]  }
0x2d: {  	s3 =	simm.s32 $0x108;
	s8 =	sld [smem:$0x3FB5]  }
0x2e: {  	s3 =	simm.s32 @!p0 $0x1082;
	s9 =	sld [smem:$0x3FB6]  }
0x2f: {  	lr =	sadd.s32 s0, s3;
	s0 =	sld [smem:$0x3FAD]  }
0x30: {  	s3 =	sld [smem:$0x3FB0]  }
0x31: {  	[smem:$0x3FB9] =	sst s10  }
0x32: {  	s10 =	sld [smem:$0x3FB7];
	_ =	sdelay $0x3  }
0x33: {  	p0 =	seq.s32 s10, $0x1;
	s10 =	sld [smem:$0x3FB9];
	_ =	sdelay $0x3  }
0x34: {  	[smem:$0x3FB9] =	sst s10  }
0x35: {  	s10 =	sld [smem:$0x3FB8];
	_ =	sdelay $0x3  }
0x36: {  	p1 =	seq.s32 s10, $0x1;
	s10 =	sld [smem:$0x3FB9];
	_ =	sdelay $0x3  }
0x37: {  	[smem:$0x3FB9] =	sst s10  }
0x38: {  	s10 =	sld [smem:$0x3FBA]  }
0x39: {  	_ = 	snop;
	(pc) =	sbr.ind lr, $3  }
0x3a: {  	_ = 	snop  }
0x3b: {  	_ = 	snop  }
0x3c: {  	p2 =	seq.s32 s10, $0x1;
	s10 =	sld [smem:$0x3FB9]  }
0x3d: {  	_ =	shalt  }
0x3e: {  	_ =	shalt  }
0x3f: {  	_ =	shalt  }
0x40: {  	_ =	shalt  }
0x41: {  	_ =	shalt  }
0x42: {  	_ =	shalt  }
0x43: {  	_ =	shalt  }
0x44: {  	_ =	shalt  }
0x45: {  	_ =	shalt  }
0x46: {  	_ =	shalt  }
0x47: {  	_ =	shalt  }
0x48: {  	_ =	shalt  }
0x49: {  	_ =	shalt  }
0x4a: {  	_ =	shalt  }
0x4b: {  	_ =	shalt  }
0x4c: {  	_ =	shalt  }
0x4d: {  	_ =	shalt  }
0x4e: {  	_ =	shalt  }
0x4f: {  	_ =	shalt  }
0x50: {  	_ =	shalt  }
0x51: {  	_ =	shalt  }
0x52: {  	_ =	shalt  }
0x53: {  	_ =	shalt  }
0x54: {  	_ =	shalt  }
0x55: {  	_ =	shalt  }
0x56: {  	_ =	shalt  }
0x57: {  	_ =	shalt  }
0x58: {  	_ =	shalt  }
0x59: {  	_ =	shalt  }
0x5a: {  	_ =	shalt  }
0x5b: {  	_ =	shalt  }
0x5c: {  	_ =	shalt  }
0x5d: {  	_ =	shalt  }
0x5e: {  	_ =	shalt  }
0x5f: {  	_ =	shalt  }
0x60: {  	_ =	shalt  }
0x61: {  	_ =	shalt  }
0x62: {  	_ =	shalt  }
0x63: {  	_ =	shalt  }
0x64: {  	_ =	shalt  }
0x65: {  	_ =	shalt  }
0x66: {  	_ =	shalt  }
0x67: {  	_ =	shalt  }
0x68: {  	_ =	shalt  }
0x69: {  	_ =	shalt  }
0x6a: {  	_ =	shalt  }
0x6b: {  	_ =	shalt  }
0x6c: {  	_ =	shalt  }
0x6d: {  	_ =	shalt  }
0x6e: {  	_ =	shalt  }
0x6f: {  	_ =	shalt  }
0x70: {  	_ =	shalt  }
0x71: {  	_ =	shalt  }
0x72: {  	_ =	shalt  }
0x73: {  	_ =	shalt  }
0x74: {  	_ =	shalt  }
0x75: {  	_ =	shalt  }
0x76: {  	_ =	shalt  }
0x77: {  	_ =	shalt  }
0x78: {  	_ =	shalt  }
0x79: {  	_ =	shalt  }
0x7a: {  	_ =	shalt  }
0x7b: {  	_ =	shalt  }
0x7c: {  	_ =	shalt  }
0x7d: {  	_ =	shalt  }
0x7e: {  	_ =	shalt  }
0x7f: {  	_ =	shalt  }
0x80: {  	_ =	shalt  }
0x81: {  	_ =	shalt  }
0x82: {  	_ =	shalt  }
0x83: {  	_ =	shalt  }
0x84: {  	_ =	shalt  }
0x85: {  	_ =	shalt  }
0x86: {  	_ =	shalt  }
0x87: {  	_ =	shalt  }
.Lfunc_end0:
.L_simem_size_0:
called_computation.1_lowered:
.L_overlay_start_0:
0x88: {  	s2 =	sld [smem:$0x3FD9]  }
0x89: {  	s3 =	sld [smem:$0x3FFE];
	_ =	sdelay $0x1  }
0x8a: {  	s1 =	srdreg.scid  }
0x8b: {  	s0 =	sand.u32 $0x1, s1  }
0x8c: {  	s17 =	sshll.u32 s0, $0xA;
	s2 =	sadd.s32 s3, s2  }
0x8d: {  	s2 =	sadd.s32 s2, s17  }
0x8e: {  	[smem:$0x3FC5] =	sst s2  }
0x8f: {  	_ = 	snop  }
0x90: {  	s2 =	sld [smem:$0x3FD0];
	(tm) =	ssettm $0x1  }
0x91: {  	s18 =	sld [smem:$0x3FFB];
	_ =	sdelay $0x3  }
0x92: {  	_ =	strace s18  }
0x93: {  	s3 =	sld [smem:$0x3FFC];
	_ =	sdelay $0x3  }
0x94: {  	_ =	strace s3  }
0x95: {  	s3 =	sld [smem:$0x3FFD];
	_ =	sdelay $0x3  }
0x96: {  	_ =	strace s3  }
0x97: {  	_ =	strace $0x8FFFFFFF  }
0x98: {  	s19 =	sld [smem:$0x3FDB];
	_ =	sdelay $0x1  }
0x99: {  	s4 =	simm.s32 $_scs_section_size  }
0x9a: {  	s5 =	simm.s32 $_size__tile_overlayer_lowered;
	s6 =	simm.s32 $_tile_overlayer_lowered  }
0x9b: {  	s22 =	simm.s32 $0x1BFF;
	s21 =	sshll.u32 s6, $0x1;
	s3 =	sadd.s32 s4, s19  }
0x9c: {  	s7 =	simm.s32 $0x0;
	s20 =	sshll.u32 s5, $0x1;
	s5 =	sadd.s32 s21, s3  }
0x9d: {  	[timem:s7], [sflag:s22] =	dma.local [hbm:s5], s20  }
0x9e: {  	_ =	swait.ge [sflag:s22], s20  }
0x9f: {  	s4 =	ssub.s32 $0x0, s20;
	[sflag:s22] =	ssyncset.done $0x0  }
0xa0: {  	[sflag:s22] =	ssyncadd.s32 s4;
	_ =	sdelay $0x1  }
0xa1: {  	s23 =	simm.s32 $0x1B8B  }
0xa2: {  	_ =	swait.ge [sflag:s23], $0x1  }
0xa3: {  	[sflag:s23] =	ssyncset.done $0x0  }
0xa4: {  	s25 =	simm.s32 $0x1B8E;
	s24 =	sld [smem:$0x3FFE];
	[sflag:s23] =	ssyncadd.s32 $0xFFFFFFFF  }
0xa5: {  	s26 =	simm.s32 $execute0_lowered;
	[smem:$0x3FD2] =	sst s25  }
0xa6: {  	s5 =	sshll.u32 s26, $0x1;
	_ =	strace $0x80000046;
	[dreg:$0x1] =	wrdreg $0xFFFFFFFF  }
0xa7: {  	s28 =	simm.s32 $_size_execute0_lowered;
	s3 =	sadd.s32 s3, s5;
	[dreg:$0x0] =	wrdreg $0x0  }
0xa8: {  	s5 =	sshll.u32 s28, $0x1;
	[dreg:$0x2] =	wrdreg s3  }
0xa9: {  	[dreg:$0x3] =	wrdreg s5  }
0xaa: {  	[dreg:$0x4] =	wrdreg $0xC0  }
0xab: {  	_ =	task [dreg:s7], $0x5FFFF  }
0xac: {  	[dreg:$0x1] =	wrdreg $0xFFFFFFFF  }
0xad: {  	[dreg:$0x0] =	wrdreg $0x60  }
0xae: {  	[dreg:$0x2] =	wrdreg s2  }
0xaf: {  	[dreg:$0x3] =	wrdreg s24  }
0xb0: {  	[dreg:$0x4] =	wrdreg $0x0  }
0xb1: {  	[dreg:$0x5] =	wrdreg $0xA  }
0xb2: {  	_ =	task.clear_ibuf [dreg:s7], $0x6FFFF;
	_ =	strace $0x90000046  }
0xb3: {  	s29 =	simm.s32 $0xA;
	_ =	strace $0x80000048  }
0xb4: {  	_ =	swait.ge [sflag:s29], $0x1  }
0xb5: {  	[sflag:s29] =	ssyncadd.s32 $0xFFFFFFFF  }
0xb6: {  	_ =	strace $0x90000048  }
0xb7: {  	_ =	sfence  }
0xb8: {  	s30 =	sld [smem:$0x0];
	_ =	sdelay $0x2  }
0xb9: {  	s31 =	sshll.u32 s1, $0xD;
	s1 =	sshrl.u32 s1, $0x2  }
0xba: {  	s3 =	sand.u32 $0x4000, s31;
	s1 =	sadd.s32 s1, s30  }
0xbb: {  	s0 =	sor.u32 s3, s0;
	s1 =	sshll.u32 s1, $0x11  }
0xbc: {  	s0 =	sor.u32 s1, s0  }
0xbd: {  	s0 =	sadd.s32 $0x8F2B, s0  }
0xbe: {  	[sflag:s0] =	ssyncadd.remote.s32 $0x1  }
0xbf: {  	_ =	sfence.sel $0xFFFF  }
0xc0: {  	[dreg:$0x0] =	wrdreg $0xFFFFFFFF;
	(pc) =	sbr.abs _section_cstart, $3  }
0xc1: {  	[dreg:$0x1] =	wrdreg $0xFFFFFFFF  }
0xc2: {  	_ =	task.clear_ibuf [dreg:s7], $0x2FFFF;
	_ =	strace $0x9FFFFFFF  }
0xc3: {  	(tm) =	ssettm $0x7FFFFFFF  }
tec
execute0_lowered:
.L_overlay_start_1:
0x0: {  	(tag) =	ssettag $0x1  }
0x1: {  	s1 =	rddreg [dreg:$0x0]  }
0x2: {  	s0 =	rddreg [dreg:$0x1]  }
0x3: {  	s2 =	rddreg [dreg:$0x2]  }
0x4: {  	s3 =	simm.s32 $0x0;
	s4 =	srdreg.scid;
	s6 =	stileid.u32  }
0x5: {  	s28 =	simm.s32 $0x19200;
	s29 =	simm.s32 $0x3;
	s30 =	simm.s32 $0x14000  }
0x6: {  	s31 =	simm.s32 $0x14080;
	[smem:$0x7FF] =	sst s3;
	s4 =	sand.u32 $0x1, s4  }
0x7: {  	s5 =	sadd.s32 $0x12200, s0;
	s8 =	sadd.s32 $0x2400, s0;
	s10 =	smul.u32 $0x14000, s6  }
0x8: {  	s9 =	sadd.s32 $0xA200, s0;
	s26 =	sadd.s32 $0x31C00, s0;
	s24 =	smul.u32 $0x50000, s6  }
0x9: {  	s11 =	sadd.s32 $0x31600, s0;
	s14 =	smul.u32 $0x3E80, s6;
	s16 =	sshll.u32 s6, $0xD  }
0xa: {  	_ =	strace $0x80000047;
	s7 =	smul.u32 $0x140000, s4;
	[dreg:$0x4] =	wrdreg s11  }
0xb: {  	s25 =	ssub.s32 $0x2, s4;
	s12 =	smul.u32 $0x3E800, s4;
	s4 =	sshll.u32 s4, $0x11  }
0xc: {  	s13 =	sshrl.u32 s25, $0x1;
	s15 =	sshrl.u32 s24, $0x2;
	s4 =	sor.u32 s16, s4  }
0xd: {  	s19 =	sshrl.u32 s14, $0x3;
	s7 =	sadd.s32 s10, s7;
	s13 =	ssub.s32 s25, s13  }
0xe: {  	s11 =	sadd.s32 s14, s12;
	s10 =	sadd.s32 s15, s2;
	s12 =	sshrl.u32 s4, $0x3  }
0xf: {  	s25 =	smul.u32 $0x7D0, s6;
	s7 =	sshrl.u32 s7, $0x3;
	[dreg:$0x5] =	wrdreg s10  }
0x10: {  	s17 =	sshrl.u32 s11, $0x3;
	s10 =	sadd.s32 s8, s19;
	s12 =	sadd.s32 s9, s12  }
0x11: {  	s24 =	smax.u32 s13, $0x1;
	s13 =	sor.u32 $0x100, s4;
	s4 =	sor.u32 $0x180, s4  }
0x12: {  	s15 =	sadd.s32 $0x180, s11;
	s0 =	sadd.s32 s7, s0;
	s18 =	sadd.s32 s5, s17  }
0x13: {  	s21 =	sadd.s32 $0x10, s10;
	s23 =	sadd.s32 $0x10, s12;
	[dreg:$0xe] =	wrdreg s24  }
0x14: {  	[dreg:$0x7] =	wrdreg s10;
	s19 =	sadd.s32 $0x7C0, s10;
	s14 =	sshrl.u32 s13, $0x3  }
0x15: {  	s16 =	sshrl.u32 s4, $0x3;
	s17 =	sshrl.u32 s15, $0x3;
	[dreg:$0x9] =	wrdreg s12  }
0x16: {  	s4 =	simm.s32 $0x14200;
	s13 =	simm.s32 $0x1;
	[dreg:$0xa] =	wrdreg s21  }
0x17: {  	s15 =	simm.s32 $0x0;
	s20 =	sadd.s32 $0x10, s18;
	[dreg:$0xc] =	wrdreg s23  }
0x18: {  	s22 =	sadd.s32 $0x84400, s0;
	s0 =	sadd.s32 $0x34400, s0;
	[dreg:$0x6] =	wrdreg s18  }
0x19: {  	s7 =	sadd.s32 $0x7C0, s18;
	s21 =	sadd.s32 s14, s9;
	[dreg:$0x8] =	wrdreg s20  }
0x1a: {  	s23 =	sadd.s32 $0x3F0, s12;
	s24 =	sadd.s32 s17, s5;
	[dreg:$0xb] =	wrdreg s22  }
0x1b: {  	s18 =	sadd.s32 $0x3E0, s12;
	s14 =	simm.s32 $0x2;
	[dreg:$0xd] =	wrdreg s0  }
0x1c: {  	[dreg:$0xf] =	wrdreg s7;
	s20 =	sadd.s32 s25, s8;
	s22 =	sadd.s32 s16, s9  }
0x1d: {  	s25 =	sadd.s32 $0x100, s11;
	[dreg:$0x10] =	wrdreg s18;
	s0 =	simm.s32 $0x50  }
0x1e: {  	s7 =	simm.s32 $0x14100;
	s8 =	simm.s32 $0x14180;
	s11 =	simm.s32 $0x16A00  }
.LBB2_1:
0x1f: {  	s6 =	rddreg [dreg:$0x4];
	s18 =	stileid.u32  }
0x20: {  	[tilespmem:s28], [sflag:$0x3] =	stream.linear.gather [hbm4b:s6+s3], $0x2800, $0x38;
	[tilespmem:$0x1BA00] =	vst v63  }
0x21: {  	s9 =	sshll.u32 s18, $0x6;
	_ =	swait.ge [sflag:s29], $0x2800  }
0x22: {  	s16 =	sor.u32 $0x1C03, s9;
	[sflag:s29] =	ssyncset.done $0x0;
	s9 =	rddreg [dreg:$0x5]  }
0x23: {  	[sflag:s29] =	ssyncadd.s32 $0xFFFFD800;
	s17 =	sshrl.u32 s9, $0x3  }
0x24: {  	[spmem:s17], [sflag:s16] =	dma.local [hbm:s26], $0x2800  }
0x25: {  	_ =	swait.ge [sflag:s29], $0x2800  }
0x26: {  	[sflag:s29] =	ssyncset.done $0x0  }
0x27: {  	[sflag:s29] =	ssyncadd.s32 $0xFFFFD800  }
0x28: {  	[bflag:$0x0] =	sbarrier.arrive $0xFFFF  }
0x29: {  	s10 =	rddreg [dreg:$0x6]  }
0x2a: {  	[tilespmem:s30], [sflag:$0x3] =	stream.linear.gather [hbm4b:s10+s3], $0x80, $0x38;
	[tilespmem:$0x1BA00] =	vst v63  }
0x2b: {  	_ =	swait.ge [sflag:s29], $0x80  }
0x2c: {  	[sflag:s29] =	ssyncset.done $0x0  }
0x2d: {  	s12 =	rddreg [dreg:$0x7];
	[sflag:s29] =	ssyncadd.s32 $0xFFFFFF80  }
0x2e: {  	[tilespmem:s31], [sflag:$0x3] =	stream.linear.gather [hbm4b:s12+s3], $0x80, $0x38;
	[tilespmem:$0x1BA00] =	vst v63  }
0x2f: {  	_ =	swait.ge [sflag:s29], $0x80  }
0x30: {  	[sflag:s29] =	ssyncset.done $0x0  }
0x31: {  	[sflag:s29] =	ssyncadd.s32 $0xFFFFFF80  }
0x32: {  	[tilespmem:s4], [sflag:$0x1] =	stream.indirect.gather [hbm4b:s1+s0], $0x80, s30, s0, $0xb8;
	[tilespmem:$0x1BA00] =	vst v63  }
0x33: {  	s18 =	smov.u32 s26;
	s26 =	rddreg [dreg:$0x8]  }
0x34: {  	[tilespmem:s7], [sflag:$0x3] =	stream.linear.gather [hbm4b:s26+s3], $0x80, $0x38;
	[tilespmem:$0x1BA00] =	vst v63  }
0x35: {  	_ =	swait.ge [sflag:s29], $0x80  }
0x36: {  	[sflag:s29] =	ssyncset.done $0x0  }
0x37: {  	s9 =	rddreg [dreg:$0xa];
	[sflag:s29] =	ssyncadd.s32 $0xFFFFFF80  }
0x38: {  	[tilespmem:s8], [sflag:$0x3] =	stream.linear.gather [hbm4b:s9+s3], $0x80, $0x38;
	[tilespmem:$0x1BA00] =	vst v63  }
0x39: {  	_ =	swait.ge [sflag:s29], $0x80  }
0x3a: {  	[sflag:s29] =	ssyncset.done $0x0  }
0x3b: {  	[sflag:s29] =	ssyncadd.s32 $0xFFFFFF80  }
0x3c: {  	[tilespmem:s11], [sflag:$0x2] =	stream.indirect.gather [hbm4b:s1+s0], $0x80, s7, s0, $0xb8;
	[tilespmem:$0x1BA00] =	vst v63  }
0x3d: {  	_ =	swait.ge [sflag:s13], $0x2800  }
0x3e: {  	[sflag:s13] =	ssyncset.done $0x0  }
0x3f: {  	[sflag:s13] =	ssyncadd.s32 $0xFFFFD800  }
0x40: {  	[spmem:s2] =	stream.indirect.scatter.add.f32 [tilespmem:s4], [sflag:$0x3], $0x80, s31, s0, $0xb8;
	[tilespmem:$0x1BA00] =	vst v63  }
0x41: {  	_ =	swait.ge [sflag:s29], $0x2800  }
0x42: {  	s10 =	sshrl.u32 s25, $0x3;
	[sflag:s29] =	ssyncset.done $0x0  }
0x43: {  	s9 =	sadd.s32 s5, s10;
	[sflag:s29] =	ssyncadd.s32 $0xFFFFD800  }
0x44: {  	[tilespmem:s30], [sflag:$0x3] =	stream.linear.gather [hbm4b:s9+s3], $0x80, $0x38;
	[tilespmem:$0x1BA00] =	vst v63  }
0x45: {  	_ =	swait.ge [sflag:s29], $0x80  }
0x46: {  	s12 =	sadd.s32 $0x0, s20;
	[sflag:s29] =	ssyncset.done $0x0  }
0x47: {  	s10 =	sadd.s32 $0x20, s12;
	[sflag:s29] =	ssyncadd.s32 $0xFFFFFF80  }
0x48: {  	[tilespmem:s31], [sflag:$0x3] =	stream.linear.gather [hbm4b:s10+s3], $0x80, $0x38;
	[tilespmem:$0x1BA00] =	vst v63  }
0x49: {  	_ =	swait.ge [sflag:s29], $0x80  }
0x4a: {  	[sflag:s29] =	ssyncset.done $0x0  }
0x4b: {  	[sflag:s29] =	ssyncadd.s32 $0xFFFFFF80  }
0x4c: {  	[tilespmem:s4], [sflag:$0x1] =	stream.indirect.gather [hbm4b:s1+s0], $0x80, s30, s0, $0xb8;
	[tilespmem:$0x1BA00] =	vst v63  }
0x4d: {  	_ =	swait.ge [sflag:s14], $0x2800  }
0x4e: {  	[sflag:s14] =	ssyncset.done $0x0  }
0x4f: {  	[sflag:s14] =	ssyncadd.s32 $0xFFFFD800  }
0x50: {  	[spmem:s2] =	stream.indirect.scatter.add.f32 [tilespmem:s11], [sflag:$0x3], $0x80, s8, s0, $0xb8;
	[tilespmem:$0x1BA00] =	vst v63  }
0x51: {  	_ =	swait.ge [sflag:s29], $0x2800  }
0x52: {  	[sflag:s29] =	ssyncset.done $0x0  }
0x53: {  	s26 =	sadd.s32 $0x0, s24;
	[sflag:s29] =	ssyncadd.s32 $0xFFFFD800  }
0x54: {  	[tilespmem:s7], [sflag:$0x3] =	stream.linear.gather [hbm4b:s26+s3], $0x80, $0x38;
	[tilespmem:$0x1BA00] =	vst v63  }
0x55: {  	_ =	swait.ge [sflag:s29], $0x80  }
0x56: {  	[sflag:s29] =	ssyncset.done $0x0  }
0x57: {  	s9 =	sadd.s32 $0x30, s12;
	[sflag:s29] =	ssyncadd.s32 $0xFFFFFF80  }
0x58: {  	[tilespmem:s8], [sflag:$0x3] =	stream.linear.gather [hbm4b:s9+s3], $0x80, $0x38;
	[tilespmem:$0x1BA00] =	vst v63  }
0x59: {  	_ =	swait.ge [sflag:s29], $0x80  }
0x5a: {  	[sflag:s29] =	ssyncset.done $0x0  }
0x5b: {  	s10 =	sadd.s32 $0x100, s25;
	s9 =	simm.s32 $0x20;
	[sflag:s29] =	ssyncadd.s32 $0xFFFFFF80  }
.LBB2_2:
0x5c: {  	[tilespmem:s11], [sflag:$0x2] =	stream.indirect.gather [hbm4b:s1+s0], $0x80, s7, s0, $0xb8;
	[tilespmem:$0x1BA00] =	vst v63  }
0x5d: {  	s26 =	smov.u32 s9  }
0x5e: {  	p0 =	sne.s32 s9, $0x780;
	s9 =	sadd.s32 $0x20, s9;
	_ =	swait.ge [sflag:s13], $0x2800  }
0x5f: {  	[sflag:s13] =	ssyncset.done $0x0  }
0x60: {  	[sflag:s13] =	ssyncadd.s32 $0xFFFFD800  }
0x61: {  	[spmem:s2] =	stream.indirect.scatter.add.f32 [tilespmem:s4], [sflag:$0x3], $0x80, s31, s0, $0xb8;
	[tilespmem:$0x1BA00] =	vst v63  }
0x62: {  	_ =	swait.ge [sflag:s29], $0x2800  }
0x63: {  	s12 =	sshrl.u32 s10, $0x3;
	[sflag:s29] =	ssyncset.done $0x0  }
0x64: {  	s12 =	sadd.s32 s5, s12;
	[sflag:s29] =	ssyncadd.s32 $0xFFFFD800  }
0x65: {  	[tilespmem:s30], [sflag:$0x3] =	stream.linear.gather [hbm4b:s12+s3], $0x80, $0x38;
	[tilespmem:$0x1BA00] =	vst v63  }
0x66: {  	_ =	swait.ge [sflag:s29], $0x80  }
0x67: {  	s12 =	sadd.s32 s26, s20;
	[sflag:s29] =	ssyncset.done $0x0  }
0x68: {  	s6 =	sadd.s32 $0x20, s12;
	[sflag:s29] =	ssyncadd.s32 $0xFFFFFF80  }
0x69: {  	[tilespmem:s31], [sflag:$0x3] =	stream.linear.gather [hbm4b:s6+s3], $0x80, $0x38;
	[tilespmem:$0x1BA00] =	vst v63  }
0x6a: {  	_ =	swait.ge [sflag:s29], $0x80  }
0x6b: {  	[sflag:s29] =	ssyncset.done $0x0  }
0x6c: {  	[sflag:s29] =	ssyncadd.s32 $0xFFFFFF80  }
0x6d: {  	[tilespmem:s4], [sflag:$0x1] =	stream.indirect.gather [hbm4b:s1+s0], $0x80, s30, s0, $0xb8;
	[tilespmem:$0x1BA00] =	vst v63  }
0x6e: {  	_ =	swait.ge [sflag:s14], $0x2800  }
0x6f: {  	[sflag:s14] =	ssyncset.done $0x0  }
0x70: {  	[sflag:s14] =	ssyncadd.s32 $0xFFFFD800  }
0x71: {  	[spmem:s2] =	stream.indirect.scatter.add.f32 [tilespmem:s11], [sflag:$0x3], $0x80, s8, s0, $0xb8;
	[tilespmem:$0x1BA00] =	vst v63  }
0x72: {  	_ =	swait.ge [sflag:s29], $0x2800  }
0x73: {  	[sflag:s29] =	ssyncset.done $0x0  }
0x74: {  	s6 =	sadd.s32 s26, s24;
	[sflag:s29] =	ssyncadd.s32 $0xFFFFD800  }
0x75: {  	[tilespmem:s7], [sflag:$0x3] =	stream.linear.gather [hbm4b:s6+s3], $0x80, $0x38;
	[tilespmem:$0x1BA00] =	vst v63  }
0x76: {  	_ =	swait.ge [sflag:s29], $0x80  }
0x77: {  	[sflag:s29] =	ssyncset.done $0x0  }
.Ltmp0:
0x78: {  	s6 =	sadd.s32 $0x30, s12;
	[sflag:s29] =	ssyncadd.s32 $0xFFFFFF80;
	(pc) =	sbr.rel @p0 .LBB2_2-.Ltmp0, $4  }
0x79: {  	[tilespmem:s8], [sflag:$0x3] =	stream.linear.gather [hbm4b:s6+s3], $0x80, $0x38;
	[tilespmem:$0x1BA00] =	vst v63  }
0x7a: {  	_ =	swait.ge [sflag:s29], $0x80  }
0x7b: {  	[sflag:s29] =	ssyncset.done $0x0  }
0x7c: {  	s10 =	sadd.s32 $0x100, s10;
	[sflag:s29] =	ssyncadd.s32 $0xFFFFFF80  }
0x7d: {  	[tilespmem:s11], [sflag:$0x2] =	stream.indirect.gather [hbm4b:s1+s0], $0x80, s7, s0, $0xb8;
	[tilespmem:$0x1BA00] =	vst v63  }
0x7e: {  	_ =	swait.ge [sflag:s13], $0x2800  }
0x7f: {  	[sflag:s13] =	ssyncset.done $0x0  }
0x80: {  	[sflag:s13] =	ssyncadd.s32 $0xFFFFD800  }
0x81: {  	[spmem:s2] =	stream.indirect.scatter.add.f32 [tilespmem:s4], [sflag:$0x3], $0x80, s31, s0, $0xb8;
	[tilespmem:$0x1BA00] =	vst v63  }
0x82: {  	_ =	swait.ge [sflag:s29], $0x2800  }
0x83: {  	[sflag:s29] =	ssyncset.done $0x0  }
0x84: {  	s6 =	simm.s32 $0x0;
	s9 =	rddreg [dreg:$0xf];
	[sflag:s29] =	ssyncadd.s32 $0xFFFFD800  }
0x85: {  	[tilespmem:s30], [sflag:$0x3] =	stream.linear.gather [hbm4b:s9+s6], $0x80, $0x38;
	[tilespmem:$0x1BA00] =	vst v63  }
0x86: {  	_ =	swait.ge [sflag:s29], $0x80  }
0x87: {  	[sflag:s29] =	ssyncset.done $0x0  }
0x88: {  	[sflag:s29] =	ssyncadd.s32 $0xFFFFFF80  }
0x89: {  	[tilespmem:s31], [sflag:$0x3] =	stream.linear.gather [hbm4b:s19+s6], $0x80, $0x38;
	[tilespmem:$0x1BA00] =	vst v63  }
0x8a: {  	_ =	swait.ge [sflag:s29], $0x80  }
0x8b: {  	[sflag:s29] =	ssyncset.done $0x0  }
0x8c: {  	[sflag:s29] =	ssyncadd.s32 $0xFFFFFF80  }
0x8d: {  	[tilespmem:s4], [sflag:$0x1] =	stream.indirect.gather [hbm4b:s1+s0], $0x80, s30, s0, $0xb8;
	[tilespmem:$0x1BA00] =	vst v63  }
0x8e: {  	_ =	swait.ge [sflag:s14], $0x2800  }
0x8f: {  	[sflag:s14] =	ssyncset.done $0x0  }
0x90: {  	[sflag:s14] =	ssyncadd.s32 $0xFFFFD800  }
0x91: {  	[spmem:s2] =	stream.indirect.scatter.add.f32 [tilespmem:s11], [sflag:$0x3], $0x80, s8, s0, $0xb8;
	[tilespmem:$0x1BA00] =	vst v63  }
0x92: {  	_ =	swait.ge [sflag:s29], $0x2800  }
0x93: {  	[sflag:s29] =	ssyncset.done $0x0  }
0x94: {  	[sflag:s29] =	ssyncadd.s32 $0xFFFFD800  }
0x95: {  	[tilespmem:s7], [sflag:$0x3] =	stream.linear.gather [hbm4b:s9+s6], $0x80, $0x38;
	[tilespmem:$0x1BA00] =	vst v63  }
0x96: {  	_ =	swait.ge [sflag:s29], $0x80  }
0x97: {  	[sflag:s29] =	ssyncset.done $0x0  }
0x98: {  	[sflag:s29] =	ssyncadd.s32 $0xFFFFFF80  }
0x99: {  	[tilespmem:s8], [sflag:$0x3] =	stream.linear.gather [hbm4b:s19+s6], $0x80, $0x38;
	[tilespmem:$0x1BA00] =	vst v63  }
0x9a: {  	_ =	swait.ge [sflag:s29], $0x80  }
0x9b: {  	[sflag:s29] =	ssyncset.done $0x0  }
0x9c: {  	[sflag:s29] =	ssyncadd.s32 $0xFFFFFF80  }
0x9d: {  	[tilespmem:s11], [sflag:$0x2] =	stream.indirect.gather [hbm4b:s1+s0], $0x80, s7, s0, $0xb8;
	[tilespmem:$0x1BA00] =	vst v63  }
0x9e: {  	_ =	swait.ge [sflag:s13], $0x2800  }
0x9f: {  	[sflag:s13] =	ssyncset.done $0x0  }
0xa0: {  	[sflag:s13] =	ssyncadd.s32 $0xFFFFD800  }
0xa1: {  	[spmem:s2] =	stream.indirect.scatter.add.f32 [tilespmem:s4], [sflag:$0x3], $0x80, s31, s0, $0xb8;
	[tilespmem:$0x1BA00] =	vst v63  }
0xa2: {  	_ =	swait.ge [sflag:s29], $0x2800  }
0xa3: {  	[sflag:s29] =	ssyncset.done $0x0  }
0xa4: {  	[sflag:s29] =	ssyncadd.s32 $0xFFFFD800  }
0xa5: {  	_ =	swait.ge [sflag:s14], $0x2800  }
0xa6: {  	[sflag:s14] =	ssyncset.done $0x0  }
0xa7: {  	[sflag:s14] =	ssyncadd.s32 $0xFFFFD800  }
0xa8: {  	[bflag:$0x0] =	sbarrier.arrive $0xFFFF  }
0xa9: {  	s26 =	rddreg [dreg:$0xb]  }
0xaa: {  	[hbm:s26], [sflag:s16] =	dma.local [spmem:s17], $0x2800  }
0xab: {  	_ =	swait.ge [sflag:s29], $0x2800  }
0xac: {  	[sflag:s29] =	ssyncset.done $0x0  }
0xad: {  	[sflag:s29] =	ssyncadd.s32 $0xFFFFD800  }
0xae: {  	[bflag:$0x0] =	sbarrier.arrive $0xFFFF  }
0xaf: {  	[spmem:s17], [sflag:s16] =	dma.local [hbm:s18], $0x2800  }
0xb0: {  	_ =	swait.ge [sflag:s29], $0x2800  }
0xb1: {  	[sflag:s29] =	ssyncset.done $0x0  }
0xb2: {  	[sflag:s29] =	ssyncadd.s32 $0xFFFFD800  }
0xb3: {  	[bflag:$0x0] =	sbarrier.arrive $0xFFFF  }
0xb4: {  	s10 =	rddreg [dreg:$0x9]  }
0xb5: {  	[tilespmem:s31], [sflag:$0x1] =	stream.linear.gather [hbm4b:s10+s6], $0x80, $0x38;
	[tilespmem:$0x1BA00] =	vst v63  }
0xb6: {  	s12 =	rddreg [dreg:$0xc]  }
0xb7: {  	[tilespmem:s8], [sflag:$0x2] =	stream.linear.gather [hbm4b:s12+s6], $0x80, $0x38;
	[tilespmem:$0x1BA00] =	vst v63  }
0xb8: {  	_ =	swait.ge [sflag:s13], $0x80  }
0xb9: {  	[sflag:s13] =	ssyncset.done $0x0  }
0xba: {  	[sflag:s13] =	ssyncadd.s32 $0xFFFFFF80  }
0xbb: {  	[spmem:s2] =	stream.indirect.scatter.add.f32 [tilespmem:s28], [sflag:$0x3], $0x80, s31, s0, $0xb8;
	[tilespmem:$0x1BA00] =	vst v63  }
0xbc: {  	_ =	swait.ge [sflag:s29], $0x2800  }
0xbd: {  	[sflag:s29] =	ssyncset.done $0x0  }
0xbe: {  	s26 =	smov.u32 s18;
	s18 =	sadd.s32 $0x0, s21;
	[sflag:s29] =	ssyncadd.s32 $0xFFFFD800  }
0xbf: {  	[tilespmem:s31], [sflag:$0x1] =	stream.linear.gather [hbm4b:s18+s3], $0x80, $0x38;
	[tilespmem:$0x1BA00] =	vst v63  }
0xc0: {  	_ =	swait.ge [sflag:s14], $0x80  }
0xc1: {  	[sflag:s14] =	ssyncset.done $0x0  }
0xc2: {  	[sflag:s14] =	ssyncadd.s32 $0xFFFFFF80  }
0xc3: {  	[spmem:s2] =	stream.indirect.scatter.add.f32 [tilespmem:s28], [sflag:$0x3], $0x80, s8, s0, $0xb8;
	[tilespmem:$0x1BA00] =	vst v63  }
0xc4: {  	_ =	swait.ge [sflag:s29], $0x2800  }
0xc5: {  	[sflag:s29] =	ssyncset.done $0x0  }
0xc6: {  	s9 =	simm.s32 $0x20;
	s10 =	sadd.s32 $0x0, s22;
	[sflag:s29] =	ssyncadd.s32 $0xFFFFD800  }
.LBB2_4:
0xc7: {  	[tilespmem:s8], [sflag:$0x2] =	stream.linear.gather [hbm4b:s10+s3], $0x80, $0x38;
	[tilespmem:$0x1BA00] =	vst v63  }
0xc8: {  	s6 =	smov.u32 s9  }
0xc9: {  	p0 =	sne.s32 s9, $0x3A0;
	s9 =	sadd.s32 $0x20, s9;
	_ =	swait.ge [sflag:s13], $0x80  }
0xca: {  	[sflag:s13] =	ssyncset.done $0x0  }
0xcb: {  	[sflag:s13] =	ssyncadd.s32 $0xFFFFFF80  }
0xcc: {  	[spmem:s2] =	stream.indirect.scatter.add.f32 [tilespmem:s28], [sflag:$0x3], $0x80, s31, s0, $0xb8;
	[tilespmem:$0x1BA00] =	vst v63  }
0xcd: {  	_ =	swait.ge [sflag:s29], $0x2800  }
0xce: {  	[sflag:s29] =	ssyncset.done $0x0  }
0xcf: {  	s10 =	sadd.s32 s6, s21;
	[sflag:s29] =	ssyncadd.s32 $0xFFFFD800  }
0xd0: {  	[tilespmem:s31], [sflag:$0x1] =	stream.linear.gather [hbm4b:s10+s3], $0x80, $0x38;
	[tilespmem:$0x1BA00] =	vst v63  }
0xd1: {  	_ =	swait.ge [sflag:s14], $0x80  }
0xd2: {  	[sflag:s14] =	ssyncset.done $0x0  }
.Ltmp1:
0xd3: {  	[sflag:s14] =	ssyncadd.s32 $0xFFFFFF80;
	(pc) =	sbr.rel @p0 .LBB2_4-.Ltmp1, $4  }
0xd4: {  	[spmem:s2] =	stream.indirect.scatter.add.f32 [tilespmem:s28], [sflag:$0x3], $0x80, s8, s0, $0xb8;
	[tilespmem:$0x1BA00] =	vst v63  }
0xd5: {  	_ =	swait.ge [sflag:s29], $0x2800  }
0xd6: {  	[sflag:s29] =	ssyncset.done $0x0  }
0xd7: {  	s10 =	sadd.s32 s6, s22;
	[sflag:s29] =	ssyncadd.s32 $0xFFFFD800  }
0xd8: {  	[tilespmem:s8], [sflag:$0x2] =	stream.linear.gather [hbm4b:s10+s3], $0x80, $0x38;
	[tilespmem:$0x1BA00] =	vst v63  }
0xd9: {  	_ =	swait.ge [sflag:s13], $0x80  }
0xda: {  	[sflag:s13] =	ssyncset.done $0x0  }
0xdb: {  	[sflag:s13] =	ssyncadd.s32 $0xFFFFFF80  }
0xdc: {  	[spmem:s2] =	stream.indirect.scatter.add.f32 [tilespmem:s28], [sflag:$0x3], $0x80, s31, s0, $0xb8;
	[tilespmem:$0x1BA00] =	vst v63  }
0xdd: {  	_ =	swait.ge [sflag:s29], $0x2800  }
0xde: {  	[sflag:s29] =	ssyncset.done $0x0  }
0xdf: {  	s6 =	rddreg [dreg:$0x10];
	[sflag:s29] =	ssyncadd.s32 $0xFFFFD800  }
0xe0: {  	[tilespmem:s31], [sflag:$0x1] =	stream.linear.gather [hbm4b:s6+s3], $0x80, $0x38;
	[tilespmem:$0x1BA00] =	vst v63  }
0xe1: {  	_ =	swait.ge [sflag:s14], $0x80  }
0xe2: {  	[sflag:s14] =	ssyncset.done $0x0  }
0xe3: {  	[sflag:s14] =	ssyncadd.s32 $0xFFFFFF80  }
0xe4: {  	[spmem:s2] =	stream.indirect.scatter.add.f32 [tilespmem:s28], [sflag:$0x3], $0x80, s8, s0, $0xb8;
	[tilespmem:$0x1BA00] =	vst v63  }
0xe5: {  	_ =	swait.ge [sflag:s29], $0x2800  }
0xe6: {  	[sflag:s29] =	ssyncset.done $0x0  }
0xe7: {  	[sflag:s29] =	ssyncadd.s32 $0xFFFFD800  }
0xe8: {  	[tilespmem:s8], [sflag:$0x2] =	stream.linear.gather [hbm4b:s23+s3], $0x80, $0x38;
	[tilespmem:$0x1BA00] =	vst v63  }
0xe9: {  	_ =	swait.ge [sflag:s13], $0x80  }
0xea: {  	[sflag:s13] =	ssyncset.done $0x0  }
0xeb: {  	[sflag:s13] =	ssyncadd.s32 $0xFFFFFF80  }
0xec: {  	[spmem:s2] =	stream.indirect.scatter.add.f32 [tilespmem:s28], [sflag:$0x3], $0x80, s31, s0, $0xb8;
	[tilespmem:$0x1BA00] =	vst v63  }
0xed: {  	_ =	swait.ge [sflag:s29], $0x2800  }
0xee: {  	[sflag:s29] =	ssyncset.done $0x0  }
0xef: {  	[sflag:s29] =	ssyncadd.s32 $0xFFFFD800  }
0xf0: {  	[tilespmem:s31], [sflag:$0x1] =	stream.linear.gather [hbm4b:s23+s3], $0x80, $0x38;
	[tilespmem:$0x1BA00] =	vst v63  }
0xf1: {  	_ =	swait.ge [sflag:s14], $0x80  }
0xf2: {  	[sflag:s14] =	ssyncset.done $0x0  }
0xf3: {  	[sflag:s14] =	ssyncadd.s32 $0xFFFFFF80  }
0xf4: {  	[spmem:s2] =	stream.indirect.scatter.add.f32 [tilespmem:s28], [sflag:$0x3], $0x80, s8, s0, $0xb8;
	[tilespmem:$0x1BA00] =	vst v63  }
0xf5: {  	_ =	swait.ge [sflag:s29], $0x2800  }
0xf6: {  	[sflag:s29] =	ssyncset.done $0x0  }
0xf7: {  	[sflag:s29] =	ssyncadd.s32 $0xFFFFD800  }
0xf8: {  	[tilespmem:s8], [sflag:$0x2] =	stream.linear.gather [hbm4b:s23+s3], $0x80, $0x38;
	[tilespmem:$0x1BA00] =	vst v63  }
0xf9: {  	_ =	swait.ge [sflag:s13], $0x80  }
0xfa: {  	[sflag:s13] =	ssyncset.done $0x0  }
0xfb: {  	[sflag:s13] =	ssyncadd.s32 $0xFFFFFF80  }
0xfc: {  	_ =	swait.ge [sflag:s14], $0x80  }
0xfd: {  	[sflag:s14] =	ssyncset.done $0x0  }
0xfe: {  	[sflag:s14] =	ssyncadd.s32 $0xFFFFFF80  }
0xff: {  	[bflag:$0x0] =	sbarrier.arrive $0xFFFF  }
0x100: {  	s12 =	rddreg [dreg:$0xd]  }
0x101: {  	[hbm:s12], [sflag:s16] =	dma.local [spmem:s17], $0x2800  }
0x102: {  	_ =	swait.ge [sflag:s29], $0x2800  }
0x103: {  	s15 =	sadd.s32 $0x1, s15;
	s18 =	rddreg [dreg:$0xe]  }
0x104: {  	p0 =	sne.s32 s15, s18  }
.Ltmp2:
0x105: {  	_ = 	snop;
	(pc) =	sbr.rel @p0 .LBB2_1-.Ltmp2, $3  }
0x106: {  	_ =	sdelay $0x1  }
0x107: {  	[sflag:s29] =	ssyncset.done $0x0  }
0x108: {  	[sflag:s29] =	ssyncadd.s32 $0xFFFFD800  }
0x109: {  	_ =	sfence.sel $0x180000  }
0x10a: {  	[bflag:$0x0] =	sbarrier.arrive $0xFFFF  }
0x10b: {  	_ =	strace $0x90000047  }
0x10c: {  	s0 =	stileid.u32;
	[bflag:$0x2] =	sbarrier.arrive $0xFFFF  }
0x10d: {  	p0 =	sne.s32 s0, $0x0;
	s0 =	rddreg [dreg:$0x3]  }
0x10e: {  	s0 =	sadd.s32 @!p0 $0x100000, s0  }
0x10f: {  	[sflag:s0] =	ssyncadd.tile.s32 @!p0 $0x1;
	_ =	shalt  }
.Lfunc_end2:
_tile_overlayer_lowered:
.L_overlay_start_2:
0x110: {  	(tag) =	ssettag $0x2  }
0x111: {  	s0 =	rddreg [dreg:$0x0];
	s2 =	stileid.u32  }
0x112: {  	s1 =	rddreg [dreg:$0x1];
	p0 =	sne.s32 s2, $0x0  }
0x113: {  	s3 =	rddreg [dreg:$0x2];
	[bflag:$0x3] =	sbarrier.arrive $0xFFFF;
	s2 =	simm.s32 @!p0 $0x1C03  }
0x114: {  	[timem:s3], [sflag:s2] =	dma.local @!p0 [hbm:s0], s1  }
0x115: {  	s0 =	simm.s32 @!p0 $0x3  }
0x116: {  	_ =	swait.ge @!p0 [sflag:s0], s1  }
0x117: {  	s1 =	ssub.s32 @!p0 $0x0, s1;
	[sflag:s0] =	ssyncset.done @!p0 $0x0  }
0x118: {  	[sflag:s0] =	ssyncadd.s32 @!p0 s1  }
0x119: {  	[bflag:$0x3] =	sbarrier.arrive $0xFFFF  }
0x11a: {  	_ =	shalt  }

</sc_bundles>
